<compile_context>
chip_gen: v7x
topology: tpu7x:2x2x1
jax: 0.10.2.dev20260603
libtpu: 0.0.44.dev20260713+nightly
codegen_flags: <defaults>
</compile_context>

<pallas_src>
import functools
import jax
import jax.numpy as jnp
from jax import lax
from jax.experimental import pallas as pl
from jax.experimental.pallas import tpu as pltpu
from jax.experimental.pallas import tpu_sc as plsc

_NPOINT = 2048
_NS = 32
_EPS = 1e-5
_QB = 128


_N = 50000
_R = 391


def _fps_body(xp_ref, yp_ref, zp_ref, nx_ref, ny_ref, nz_ref, mind_ref):
    row_i = lax.broadcasted_iota(jnp.int32, (_R, 128), 0)
    lane_i = lax.broadcasted_iota(jnp.int32, (_R, 128), 1)
    flat_i = row_i * 128 + lane_i
    mind_ref[...] = jnp.where(flat_i < _N, jnp.float32(1e10), jnp.float32(-3e38))
    lane1 = lax.broadcasted_iota(jnp.int32, (1, 128), 1)

    def coord(ref, r, c):
        row = ref[pl.ds(r, 1), :]
        return jnp.sum(jnp.where(lane1 == c, row, jnp.float32(0.0)))

    lx0 = coord(xp_ref, 0, 0)
    ly0 = coord(yp_ref, 0, 0)
    lz0 = coord(zp_ref, 0, 0)
    nx_ref[0] = lx0
    ny_ref[0] = ly0
    nz_ref[0] = lz0

    def body(i, carry):
        lx, ly, lz = carry
        dx = xp_ref[...] - lx
        dy = yp_ref[...] - ly
        dz = zp_ref[...] - lz
        d = (jnp.abs(dx * dx) + jnp.abs(dy * dy)) + jnp.abs(dz * dz)
        mind = jnp.minimum(mind_ref[...], d)
        mind_ref[...] = mind
        m = jnp.max(mind)
        idx = jnp.min(jnp.where(mind == m, flat_i, jnp.int32(2 ** 30)))
        r = idx // 128
        c = idx - r * 128
        nlx = coord(xp_ref, r, c)
        nly = coord(yp_ref, r, c)
        nlz = coord(zp_ref, r, c)
        nx_ref[i] = nlx
        ny_ref[i] = nly
        nz_ref[i] = nlz
        return (nlx, nly, nlz)

    lax.fori_loop(1, _NPOINT, body, (lx0, ly0, lz0))


def _fps_pallas(planes):
    sspec = pl.BlockSpec(memory_space=pltpu.SMEM)
    nx, ny, nz = pl.pallas_call(
        _fps_body,
        in_specs=[pl.BlockSpec(memory_space=pltpu.VMEM)] * 3,
        out_specs=[sspec, sspec, sspec],
        out_shape=[jax.ShapeDtypeStruct((_NPOINT,), jnp.float32)] * 3,
        scratch_shapes=[pltpu.VMEM((_R, 128), jnp.float32)],
    )(*planes)
    return nx, ny, nz


def _fps_jax(xyz, npoint):
    N = xyz.shape[0]
    idxs = jnp.zeros((npoint,), dtype=jnp.int32)
    min_d = jnp.full((N,), 1e10, dtype=jnp.float32)

    def body(i, carry):
        min_d, idxs = carry
        last = xyz[idxs[i - 1]]
        d = jnp.sum((xyz - last) ** 2, axis=-1)
        min_d = jnp.minimum(min_d, d)
        idxs = idxs.at[i].set(jnp.argmax(min_d).astype(jnp.int32))
        return (min_d, idxs)

    _, idxs = lax.fori_loop(1, npoint, body, (min_d, idxs))
    return idxs


_P = _R * 128
_PCH = _R
_S = 48
_QK = 16


def _knn1_body(qx_ref, qy_ref, qz_ref, px_ref, py_ref, pz_ref, d_ref):
    dx = qx_ref[...] - px_ref[...]
    dy = qy_ref[...] - py_ref[...]
    dz = qz_ref[...] - pz_ref[...]
    d_ref[...] = dx * dx + dy * dy + dz * dz


def _knn1_body_unused(qx_ref, qy_ref, qz_ref, px_ref, py_ref, pz_ref, nc_ref):
    dx = qx_ref[...] - px_ref[...]
    dy = qy_ref[...] - py_ref[...]
    dz = qz_ref[...] - pz_ref[...]
    d = dx * dx + dy * dy + dz * dz
    cmin = jnp.min(d.reshape(_QK, _PCH, 128), axis=2)
    pad = jnp.full((_QK, 512 - _PCH), 3e38, jnp.float32)
    c = jnp.concatenate([cmin, pad], axis=1)
    li = lax.broadcasted_iota(jnp.int32, (_QK, 512), 1)
    cols = []
    for _ in range(_S):
        m = jnp.min(c, axis=1, keepdims=True)
        j = jnp.min(jnp.where(c == m, li, jnp.int32(10 ** 9)),
                    axis=1, keepdims=True)
        cols.append(j)
        c = jnp.where(li == j, jnp.float32(3e38), c)
    nc_ref[...] = jnp.concatenate(cols, axis=1)


def _knn_phase1(qx, qy, qz, px, py, pz):
    grid = _NPOINT // _QK
    qspec = pl.BlockSpec((_QK, 1), lambda i: (i, 0))
    pspec = pl.BlockSpec((1, _P), lambda i: (0, 0))
    return pl.pallas_call(
        _knn1_body,
        grid=(grid,),
        in_specs=[qspec, qspec, qspec, pspec, pspec, pspec],
        out_specs=pl.BlockSpec((_QK, _P), lambda i: (i, 0)),
        out_shape=jax.ShapeDtypeStruct((_NPOINT, _P), jnp.float32),
    )(qx[:, None], qy[:, None], qz[:, None], px, py, pz)


def _merge_low(ak, av, bk, bv):
    rbk = lax.rev(bk, (0,))
    rbv = lax.rev(bv, (0,))
    m = ak <= rbk
    lok = jnp.where(m, ak, rbk)
    lov = jnp.where(m, av, rbv)
    return plsc.sort_key_val(lok, lov)


def _merge_high(ak, av, bk, bv):
    rbk = lax.rev(bk, (0,))
    rbv = lax.rev(bv, (0,))
    m = ak <= rbk
    hik = jnp.where(m, rbk, ak)
    hiv = jnp.where(m, rbv, av)
    return plsc.sort_key_val(hik, hiv)


def _splat(ref, pos):
    g = (pos // 16) * 16
    reg = ref[pl.ds(g, 16)]
    dnums = lax.GatherDimensionNumbers(
        offset_dims=(), collapsed_slice_dims=(0,), start_index_map=(0,))
    return lax.gather(reg, jnp.full((16, 1), pos - g, jnp.int32), dnums,
                      (1,), mode=lax.GatherScatterMode.PROMISE_IN_BOUNDS)


def _knn_phase2(px2, py2, pz2, nx, ny, nz, ncflat):
    mesh = plsc.VectorSubcoreMesh(core_axis_name="c", subcore_axis_name="s")
    QW = _NPOINT // 32
    BIG = jnp.float32(3e38)

    @functools.partial(
        pl.kernel, mesh=mesh,
        out_type=jax.ShapeDtypeStruct((_NPOINT * 32,), jnp.int32),
        scratch_types=[
            pltpu.VMEM((128,), jnp.float32),
            pltpu.VMEM((128,), jnp.float32),
            pltpu.VMEM((128,), jnp.float32),
            pltpu.VMEM((_S,), jnp.int32),
            pltpu.VMEM((128,), jnp.int32),
            pltpu.VMEM((_S, 128), jnp.float32),
            pltpu.VMEM((_S, 128), jnp.float32),
            pltpu.VMEM((_S, 128), jnp.float32),
            pltpu.VMEM((32,), jnp.int32),
            pltpu.SemaphoreType.DMA,
        ],
    )
    def k(px_h, py_h, pz_h, nx_h, ny_h, nz_h, nc_h, out_h,
          qx_v, qy_v, qz_v, cid_v, cidp_v, xr_v, yr_v, zr_v, oi_v, sem):
        wid = lax.axis_index("s") * 2 + lax.axis_index("c")
        qbase = wid * QW
        pltpu.sync_copy(nx_h.at[pl.ds(qbase, QW)], qx_v.at[pl.ds(0, QW)])
        pltpu.sync_copy(ny_h.at[pl.ds(qbase, QW)], qy_v.at[pl.ds(0, QW)])
        pltpu.sync_copy(nz_h.at[pl.ds(qbase, QW)], qz_v.at[pl.ds(0, QW)])
        iota16 = lax.broadcasted_iota(jnp.int32, (16,), 0)

        def per_query(qi, _):
            q = qbase + qi
            pltpu.sync_copy(nc_h.at[pl.ds(q * _S, _S)], cid_v)
            pltpu.sync_copy(cid_v, cidp_v.at[pl.ds(0, _S)])
            pltpu.async_copy(px_h.at[cid_v], xr_v, sem).wait()
            pltpu.async_copy(py_h.at[cid_v], yr_v, sem).wait()
            pltpu.async_copy(pz_h.at[cid_v], zr_v, sem).wait()
            qx = _splat(qx_v, qi)
            qy = _splat(qy_v, qi)
            qz = _splat(qz_v, qi)

            def step(r, carry):
                t0k, t0v, t1k, t1v = carry
                j = r // 8
                s = (r - j * 8) * 16
                x = xr_v[j, pl.ds(s, 16)]
                y = yr_v[j, pl.ds(s, 16)]
                z = zr_v[j, pl.ds(s, 16)]
                ddx = x - qx
                ddy = y - qy
                ddz = z - qz
                d = ddx * ddx + ddy * ddy + ddz * ddz
                cid = _splat(cidp_v, j)
                idx = cid * 128 + s + iota16
                ck, cv = plsc.sort_key_val(d, idx)
                n0k, n0v = _merge_low(t0k, t0v, ck, cv)
                hk, hv = _merge_high(t0k, t0v, ck, cv)
                n1k, n1v = _merge_low(t1k, t1v, hk, hv)
                return n0k, n0v, n1k, n1v

            init = (jnp.full((16,), BIG), jnp.zeros((16,), jnp.int32),
                    jnp.full((16,), BIG), jnp.zeros((16,), jnp.int32))
            t0k, t0v, t1k, t1v = lax.fori_loop(0, _S * 8, step, init)
            oi_v[pl.ds(0, 16)] = t0v
            oi_v[pl.ds(16, 16)] = t1v
            pltpu.sync_copy(oi_v, out_h.at[pl.ds(q * 32, 32)])
            return 0

        lax.fori_loop(0, QW, per_query, 0)

    return k(px2, py2, pz2, nx, ny, nz, ncflat)


def _sc_gather(table, idx, chunk_rows):
    B = idx.shape[0]
    D = table.shape[1]
    bw = B // 32
    nch = bw // chunk_rows
    mesh = plsc.VectorSubcoreMesh(core_axis_name="c", subcore_axis_name="s")

    @functools.partial(
        pl.kernel, mesh=mesh,
        out_type=jax.ShapeDtypeStruct((B, D), jnp.float32),
        scratch_types=[
            pltpu.VMEM((chunk_rows,), jnp.int32),
            pltpu.VMEM((chunk_rows, D), jnp.float32),
            pltpu.SemaphoreType.DMA,
        ],
    )
    def k(tab_h, idx_h, out_h, idx_v, rows_v, sem):
        wid = lax.axis_index("s") * 2 + lax.axis_index("c")

        def body(i, _):
            base = wid * bw + i * chunk_rows
            pltpu.sync_copy(idx_h.at[pl.ds(base, chunk_rows)], idx_v)
            pltpu.async_copy(tab_h.at[idx_v], rows_v, sem).wait()
            pltpu.sync_copy(rows_v, out_h.at[pl.ds(base, chunk_rows)])
            return 0

        lax.fori_loop(0, nch, body, 0)

    return k(table, idx)


def _knn_jax(q, xyz, k, chunk=256):
    M = q.shape[0]
    qc = q.reshape(M // chunk, chunk, 3)

    def f(qb):
        d = jnp.sum((qb[:, None, :] - xyz[None, :, :]) ** 2, axis=-1)
        _, idx = lax.top_k(-d, k)
        return idx

    return lax.map(f, qc).reshape(M, k)


def _ln_relu(x, g, b):
    m = jnp.mean(x, axis=-1, keepdims=True)
    v = jnp.mean((x - m) ** 2, axis=-1, keepdims=True)
    return jnp.maximum((x - m) / jnp.sqrt(v + _EPS) * g + b, 0.0)


def _mlp_body(qe_ref, gx_ref, gf_ref,
              w0a_ref, w0b_ref, b0_ref, g0_ref, be0_ref,
              w1_ref, b1_ref, g1_ref, be1_ref,
              a1a_ref, a1b_ref, ab1_ref, a2_ref,
              pw_ref, pb_ref, ab2s_ref,
              out_ref):
    rel = gx_ref[...] - qe_ref[...]
    ff = gf_ref[...]

    w0a = w0a_ref[...]
    xw = rel[:, 0:1] * w0a[0:1, :]
    xw = xw + rel[:, 1:2] * w0a[1:2, :]
    xw = xw + rel[:, 2:3] * w0a[2:3, :]
    xw = xw + jnp.dot(ff, w0b_ref[...], preferred_element_type=jnp.float32)
    xw = xw + b0_ref[...]
    x = _ln_relu(xw, g0_ref[...], be0_ref[...])
    x = jnp.dot(x, w1_ref[...], preferred_element_type=jnp.float32) + b1_ref[...]
    x = _ln_relu(x, g1_ref[...], be1_ref[...])

    a1a = a1a_ref[...]
    a = rel[:, 0:1] * a1a[0:1, :]
    a = a + rel[:, 1:2] * a1a[1:2, :]
    a = a + rel[:, 2:3] * a1a[2:3, :]
    a = a + jnp.dot(x, a1b_ref[...], preferred_element_type=jnp.float32)
    a = jnp.maximum(a + ab1_ref[...], 0.0)
    s = jnp.dot(a, a2_ref[...], preferred_element_type=jnp.float32)
    s = s + ab2s_ref[0]

    s3 = s.reshape(_QB, _NS, 1)
    m3 = jnp.max(s3, axis=1, keepdims=True)
    e3 = jnp.exp(s3 - m3)
    w3 = e3 / jnp.sum(e3, axis=1, keepdims=True)
    x3 = x.reshape(_QB, _NS, 128)
    feats = jnp.sum(x3 * w3, axis=1)
    out_ref[...] = jnp.dot(feats, pw_ref[...],
                           preferred_element_type=jnp.float32) + pb_ref[...]


def _mlp_attn(qxyz, gxyz, gfeat, W0, b0, g0, be0, W1, b1, g1, be1,
              aW1, ab1, aW2, ab2, pW, pb):
    n = _NPOINT * _NS
    qe = jnp.repeat(qxyz, _NS, axis=0)
    qe4 = jnp.pad(qe, ((0, 0), (0, 1)))
    gx4 = jnp.pad(gxyz, ((0, 0), (0, 1)))
    w0a = jnp.pad(W0[:3], ((0, 1), (0, 0)))
    w0b = W0[3:]
    a1a = jnp.pad(aW1[:3], ((0, 1), (0, 0)))
    a1b = aW1[3:]
    b2 = jnp.broadcast_to

    grid = _NPOINT // _QB
    blk = _QB * _NS
    wspec = lambda shape: pl.BlockSpec(shape, lambda i: (0, 0))
    out = pl.pallas_call(
        _mlp_body,
        grid=(grid,),
        in_specs=[
            pl.BlockSpec((blk, 4), lambda i: (i, 0)),
            pl.BlockSpec((blk, 4), lambda i: (i, 0)),
            pl.BlockSpec((blk, 128), lambda i: (i, 0)),
            wspec((4, 128)), wspec((128, 128)),
            wspec((1, 128)), wspec((1, 128)), wspec((1, 128)),
            wspec((128, 128)), wspec((1, 128)), wspec((1, 128)), wspec((1, 128)),
            wspec((4, 128)), wspec((128, 128)), wspec((1, 128)),
            wspec((128, 1)),
            wspec((128, 128)), wspec((1, 128)),
            pl.BlockSpec(memory_space=pltpu.SMEM),
        ],
        out_specs=pl.BlockSpec((_QB, 128), lambda i: (i, 0)),
        out_shape=jax.ShapeDtypeStruct((_NPOINT, 128), jnp.float32),
    )(qe4, gx4, gfeat,
      w0a, w0b, b0[None, :], g0[None, :], be0[None, :],
      W1, b1[None, :], g1[None, :], be1[None, :],
      a1a, a1b, ab1[None, :],
      aW2,
      pW, pb[None, :], ab2)
    return out


def kernel(xyz, features, offset, W0, b0, g0, be0, W1, b1, g1, be1,
           aW1, ab1, aW2, ab2, pW, pb):
    pads = _P - _N
    planes = [jnp.pad(xyz[:, k], (0, pads), constant_values=1e6).reshape(_R, 128)
              for k in range(3)]
    nx, ny, nz = _fps_pallas(planes)
    new_xyz = jnp.stack([nx, ny, nz], axis=-1)
    d = _knn_phase1(nx, ny, nz,
                    planes[0].reshape(1, _P), planes[1].reshape(1, _P),
                    planes[2].reshape(1, _P))
    _, nidx = lax.top_k(-d, _NS)
    gxyz = xyz[nidx].reshape(_NPOINT * _NS, 3)
    gfeat = features[nidx].reshape(_NPOINT * _NS, 128)
    out = _mlp_attn(new_xyz, gxyz, gfeat, W0, b0, g0, be0,
                    W1, b1, g1, be1, aW1, ab1, aW2, ab2, pW, pb)
    new_offset = jnp.array([_NPOINT], dtype=jnp.int32)
    return new_xyz, out, new_offset

# --- scband reference (transcript-rebuilt; emitter-appended) ---
"""Pipeline reference for scband-set-abstraction-23115513987444 (READ-ONLY COPY).

The authoritative reference and input builder live on the scoring server;
editing this copy changes nothing except your own understanding.
"""

import jax, jax.numpy as jnp
import numpy as np
from jax import lax

N_POINTS = 50000
NPOINT = 2048
NSAMPLE = 32
IN_CH = 128
EPS = 1e-5


def _fps(xyz, npoint):
    N = xyz.shape[0]
    idxs = jnp.zeros((npoint,), dtype=jnp.int32)
    min_d = jnp.full((N,), 1e10, dtype=jnp.float32)

    def body(i, carry):
        min_d, idxs = carry
        last = xyz[idxs[i - 1]]
        d = jnp.sum((xyz - last) ** 2, axis=-1)
        min_d = jnp.minimum(min_d, d)
        idxs = idxs.at[i].set(jnp.argmax(min_d).astype(jnp.int32))
        return (min_d, idxs)

    _, idxs = lax.fori_loop(1, npoint, body, (min_d, idxs))
    return idxs


def _knn(q, xyz, k, chunk=256):
    M = q.shape[0]
    qc = q.reshape(M // chunk, chunk, 3)

    def f(qb):
        d = jnp.sum((qb[:, None, :] - xyz[None, :, :]) ** 2, axis=-1)
        _, idx = lax.top_k(-d, k)
        return idx

    return lax.map(f, qc).reshape(M, k)


def _ln(x, g, b):
    m = jnp.mean(x, axis=-1, keepdims=True)
    v = jnp.var(x, axis=-1, keepdims=True)
    return (x - m) / jnp.sqrt(v + EPS) * g + b


def setup_inputs(seed: int = 0):
    key = jax.random.key(seed)
    ks = jax.random.split(key, 12)
    xyz = jax.random.uniform(ks[0], (N_POINTS, 3), dtype=jnp.float32)
    features = jax.random.normal(ks[1], (N_POINTS, IN_CH), dtype=jnp.float32)
    offset = jnp.array([N_POINTS], dtype=jnp.int32)

    def lin(k, i, o):
        k1, k2 = jax.random.split(k)
        s = 1.0 / np.sqrt(i)
        W = jax.random.uniform(k1, (i, o), jnp.float32, -s, s)
        b = jax.random.uniform(k2, (o,), jnp.float32, -s, s)
        return W, b

    W0, b0 = lin(ks[2], IN_CH + 3, 128)
    W1, b1 = lin(ks[3], 128, 128)
    g0 = jnp.ones((128,), jnp.float32)
    be0 = jnp.zeros((128,), jnp.float32)
    g1 = jnp.ones((128,), jnp.float32)
    be1 = jnp.zeros((128,), jnp.float32)
    aW1, ab1 = lin(ks[4], 128 + 3, 128)
    aW2, ab2 = lin(ks[5], 128, 1)
    pW, pb = lin(ks[6], 128, 128)
    return {"xyz": xyz, "features": features, "offset": offset,
            "W0": W0, "b0": b0, "g0": g0, "be0": be0,
            "W1": W1, "b1": b1, "g1": g1, "be1": be1,
            "aW1": aW1, "ab1": ab1, "aW2": aW2, "ab2": ab2,
            "pW": pW, "pb": pb}


def _forward(xyz, features, fps_idx, nidx, W0, b0, g0, be0, W1, b1, g1, be1, aW1, ab1, aW2, ab2, pW, pb):
    new_xyz = xyz[fps_idx]
    grouped_xyz = xyz[nidx]
    grouped_feat = features[nidx]
    rel = grouped_xyz - new_xyz[:, None, :]
    x = jnp.concatenate([rel, grouped_feat], axis=-1)
    x = jax.nn.relu(_ln(x @ W0 + b0, g0, be0))
    x = jax.nn.relu(_ln(x @ W1 + b1, g1, be1))
    rel2 = grouped_xyz - new_xyz[:, None, :]
    a = jnp.concatenate([rel2, x], axis=-1)
    s = jax.nn.relu(a @ aW1 + ab1) @ aW2 + ab2
    w = jax.nn.softmax(s, axis=1)
    feats = jnp.sum(x * w, axis=1)
    out = feats @ pW + pb
    return new_xyz, out


def reference(xyz, features, offset, W0, b0, g0, be0, W1, b1, g1, be1, aW1, ab1, aW2, ab2, pW, pb):
    fps_idx = _fps(xyz, NPOINT)
    new_xyz = xyz[fps_idx]
    nidx = _knn(new_xyz, xyz, NSAMPLE)
    new_xyz, new_features = _forward(xyz, features, fps_idx, nidx, W0, b0, g0, be0, W1, b1, g1, be1, aW1, ab1, aW2, ab2, pW, pb)
    new_offset = jnp.array([NPOINT], dtype=jnp.int32)
    return new_xyz, new_features, new_offset

if __name__ == "__main__":
    import jax
    _d = setup_inputs()
    print(jax.jit(kernel)(*tuple(_d.values())))

</pallas_src>

<mosaic_0001>
module attributes {stable_mosaic.version = 14 : i64} {
  func.func @_fps_body(%arg0: memref<391x128xf32, #tpu.memory_space<vmem>>, %arg1: memref<391x128xf32, #tpu.memory_space<vmem>>, %arg2: memref<391x128xf32, #tpu.memory_space<vmem>>, %arg3: memref<2048xf32, #tpu.memory_space<smem>>, %arg4: memref<2048xf32, #tpu.memory_space<smem>>, %arg5: memref<2048xf32, #tpu.memory_space<smem>>, %arg6: memref<391x128xf32, #tpu.memory_space<vmem>>) attributes {dimension_semantics = [], scalar_prefetch = 0 : i64, scratch_operands = 1 : i64, tpu.core_type = #tpu.core_type<tc>} {
    %iota3A = tpu.iota {dimensions = array<i32: 0>} : vector<391x128xi32>
    %iota3A_0 = tpu.iota {dimensions = array<i32: 1>} : vector<391x128xi32>
    %mul3A = arith.constant 128 : i32
    %mul3A_1 = vector.broadcast %mul3A : i32 to vector<391x128xi32>
    %mul3A_2 = arith.muli %iota3A, %mul3A_1 : vector<391x128xi32>
    %add3A = arith.addi %mul3A_2, %iota3A_0 : vector<391x128xi32>
    %lt3A = arith.constant 50000 : i32
    %lt3A_3 = vector.broadcast %lt3A : i32 to vector<391x128xi32>
    %lt3A_4 = arith.cmpi slt, %add3A, %lt3A_3 : vector<391x128xi32>
    %jit3A = arith.constant 1.000000e+10 : f32
    %jit3A_5 = arith.constant -3.000000e+38 : f32
    %broadcast_in_dim3A = vector.broadcast %jit3A : f32 to vector<391x128xf32>
    %broadcast_in_dim3A_6 = vector.broadcast %jit3A_5 : f32 to vector<391x128xf32>
    %select_n3A = arith.select %lt3A_4, %broadcast_in_dim3A, %broadcast_in_dim3A_6 : vector<391x128xi1>, vector<391x128xf32>
    %swap3A = arith.constant 0 : index
    %swap3A_7 = arith.constant 0 : index
    %swap3A_8 = vector.load %arg6[%swap3A, %swap3A_7] : memref<391x128xf32, #tpu.memory_space<vmem>>, vector<391x128xf32>
    tpu.vector_store %arg6[%swap3A, %swap3A_7], %select_n3A {strides = array<i32>} : memref<391x128xf32, #tpu.memory_space<vmem>>, vector<391x128xf32>,
    %iota3A_9 = tpu.iota {dimensions = array<i32: 1>} : vector<1x128xi32>
    %get3A = arith.constant 0 : index
    %get3A_10 = arith.constant 0 : index
    %get3A_11 = vector.load %arg0[%get3A, %get3A_10] : memref<391x128xf32, #tpu.memory_space<vmem>>, vector<1x128xf32>
    %eq3A = arith.constant 0 : i32
    %eq3A_12 = vector.broadcast %eq3A : i32 to vector<1x128xi32>
    %eq3A_13 = arith.cmpi eq, %iota3A_9, %eq3A_12 : vector<1x128xi32>
    %jit3A_14 = arith.constant 0.000000e+00 : f32
    %broadcast_in_dim3A_15 = vector.broadcast %jit3A_14 : f32 to vector<1x128xf32>
    %select_n3A_16 = arith.select %eq3A_13, %get3A_11, %broadcast_in_dim3A_15 : vector<1x128xi1>, vector<1x128xf32>
    %reduce_sum3A = vector.shape_cast %select_n3A_16 : vector<1x128xf32> to vector<1x1x128xf32>
    %reduce_sum3A_17 = arith.constant dense<0.000000e+00> : vector<1xf32>
    %reduce_sum3A_18 = vector.multi_reduction <add>, %reduce_sum3A, %reduce_sum3A_17 [1, 2] : vector<1x1x128xf32> to vector<1xf32>
    %reduce_sum3A_19 = vector.shape_cast %reduce_sum3A_18 : vector<1xf32> to vector<1x1x1xf32>
    %reduce_sum3A_20 = vector.extract %reduce_sum3A_19[0, 0, 0] : f32 from vector<1x1x1xf32>
    %get3A_21 = arith.constant 0 : index
    %get3A_22 = arith.constant 0 : index
    %get3A_23 = vector.load %arg1[%get3A_21, %get3A_22] : memref<391x128xf32, #tpu.memory_space<vmem>>, vector<1x128xf32>
    %eq3A_24 = arith.constant 0 : i32
    %eq3A_25 = vector.broadcast %eq3A_24 : i32 to vector<1x128xi32>
    %eq3A_26 = arith.cmpi eq, %iota3A_9, %eq3A_25 : vector<1x128xi32>
    %jit3A_27 = arith.constant 0.000000e+00 : f32
    %broadcast_in_dim3A_28 = vector.broadcast %jit3A_27 : f32 to vector<1x128xf32>
    %select_n3A_29 = arith.select %eq3A_26, %get3A_23, %broadcast_in_dim3A_28 : vector<1x128xi1>, vector<1x128xf32>
    %reduce_sum3A_30 = vector.shape_cast %select_n3A_29 : vector<1x128xf32> to vector<1x1x128xf32>
    %reduce_sum3A_31 = arith.constant dense<0.000000e+00> : vector<1xf32>
    %reduce_sum3A_32 = vector.multi_reduction <add>, %reduce_sum3A_30, %reduce_sum3A_31 [1, 2] : vector<1x1x128xf32> to vector<1xf32>
    %reduce_sum3A_33 = vector.shape_cast %reduce_sum3A_32 : vector<1xf32> to vector<1x1x1xf32>
    %reduce_sum3A_34 = vector.extract %reduce_sum3A_33[0, 0, 0] : f32 from vector<1x1x1xf32>
    %get3A_35 = arith.constant 0 : index
    %get3A_36 = arith.constant 0 : index
    %get3A_37 = vector.load %arg2[%get3A_35, %get3A_36] : memref<391x128xf32, #tpu.memory_space<vmem>>, vector<1x128xf32>
    %eq3A_38 = arith.constant 0 : i32
    %eq3A_39 = vector.broadcast %eq3A_38 : i32 to vector<1x128xi32>
    %eq3A_40 = arith.cmpi eq, %iota3A_9, %eq3A_39 : vector<1x128xi32>
    %jit3A_41 = arith.constant 0.000000e+00 : f32
    %broadcast_in_dim3A_42 = vector.broadcast %jit3A_41 : f32 to vector<1x128xf32>
    %select_n3A_43 = arith.select %eq3A_40, %get3A_37, %broadcast_in_dim3A_42 : vector<1x128xi1>, vector<1x128xf32>
    %reduce_sum3A_44 = vector.shape_cast %select_n3A_43 : vector<1x128xf32> to vector<1x1x128xf32>
    %reduce_sum3A_45 = arith.constant dense<0.000000e+00> : vector<1xf32>
    %reduce_sum3A_46 = vector.multi_reduction <add>, %reduce_sum3A_44, %reduce_sum3A_45 [1, 2] : vector<1x1x128xf32> to vector<1xf32>
    %reduce_sum3A_47 = vector.shape_cast %reduce_sum3A_46 : vector<1xf32> to vector<1x1x1xf32>
    %reduce_sum3A_48 = vector.extract %reduce_sum3A_47[0, 0, 0] : f32 from vector<1x1x1xf32>
    %swap3A_49 = arith.constant 0 : index
    %swap3A_50 = memref.load %arg3[%swap3A_49] : memref<2048xf32, #tpu.memory_space<smem>>
    memref.store %reduce_sum3A_20, %arg3[%swap3A_49] : memref<2048xf32, #tpu.memory_space<smem>>
    %swap3A_51 = arith.constant 0 : index
    %swap3A_52 = memref.load %arg4[%swap3A_51] : memref<2048xf32, #tpu.memory_space<smem>>
    memref.store %reduce_sum3A_34, %arg4[%swap3A_51] : memref<2048xf32, #tpu.memory_space<smem>>
    %swap3A_53 = arith.constant 0 : index
    %swap3A_54 = memref.load %arg5[%swap3A_53] : memref<2048xf32, #tpu.memory_space<smem>>
    memref.store %reduce_sum3A_48, %arg5[%swap3A_53] : memref<2048xf32, #tpu.memory_space<smem>>
    %scan3A = arith.constant 1 : i32
    %scan3A_55 = arith.constant 2047 : i32
    %scan3A_56 = arith.addi %scan3A, %scan3A_55 : i32
    %scan3A_57 = arith.constant 1 : i32
    %scan3A_58:3 = scf.for %scan3A_60 = %scan3A to %scan3A_56 step %scan3A_57 iter_args(%scan3A_61 = %reduce_sum3A_20, %scan3A_62 = %reduce_sum3A_34, %scan3A_63 = %reduce_sum3A_48) -> (f32, f32, f32)  : i32 {
      %get3A_64 = arith.constant 0 : index
      %get3A_65 = arith.constant 0 : index
      %get3A_66 = vector.load %arg0[%get3A_64, %get3A_65] : memref<391x128xf32, #tpu.memory_space<vmem>>, vector<391x128xf32>
      %sub3A = vector.broadcast %scan3A_61 : f32 to vector<391x128xf32>
      %sub3A_67 = arith.subf %get3A_66, %sub3A : vector<391x128xf32>
      %get3A_68 = arith.constant 0 : index
      %get3A_69 = arith.constant 0 : index
      %get3A_70 = vector.load %arg1[%get3A_68, %get3A_69] : memref<391x128xf32, #tpu.memory_space<vmem>>, vector<391x128xf32>
      %sub3A_71 = vector.broadcast %scan3A_62 : f32 to vector<391x128xf32>
      %sub3A_72 = arith.subf %get3A_70, %sub3A_71 : vector<391x128xf32>
      %get3A_73 = arith.constant 0 : index
      %get3A_74 = arith.constant 0 : index
      %get3A_75 = vector.load %arg2[%get3A_73, %get3A_74] : memref<391x128xf32, #tpu.memory_space<vmem>>, vector<391x128xf32>
      %sub3A_76 = vector.broadcast %scan3A_63 : f32 to vector<391x128xf32>
      %sub3A_77 = arith.subf %get3A_75, %sub3A_76 : vector<391x128xf32>
      %mul3A_78 = arith.mulf %sub3A_67, %sub3A_67 : vector<391x128xf32>
      %abs3A = math.absf %mul3A_78 : vector<391x128xf32>
      %mul3A_79 = arith.mulf %sub3A_72, %sub3A_72 : vector<391x128xf32>
      %abs3A_80 = math.absf %mul3A_79 : vector<391x128xf32>
      %add3A_81 = arith.addf %abs3A, %abs3A_80 : vector<391x128xf32>
      %mul3A_82 = arith.mulf %sub3A_77, %sub3A_77 : vector<391x128xf32>
      %abs3A_83 = math.absf %mul3A_82 : vector<391x128xf32>
      %add3A_84 = arith.addf %add3A_81, %abs3A_83 : vector<391x128xf32>
      %get3A_85 = arith.constant 0 : index
      %get3A_86 = arith.constant 0 : index
      %get3A_87 = vector.load %arg6[%get3A_85, %get3A_86] : memref<391x128xf32, #tpu.memory_space<vmem>>, vector<391x128xf32>
      %min3A = arith.minimumf %get3A_87, %add3A_84 : vector<391x128xf32>
      %swap3A_88 = arith.constant 0 : index
      %swap3A_89 = arith.constant 0 : index
      %swap3A_90 = vector.load %arg6[%swap3A_88, %swap3A_89] : memref<391x128xf32, #tpu.memory_space<vmem>>, vector<391x128xf32>
      tpu.vector_store %arg6[%swap3A_88, %swap3A_89], %min3A {strides = array<i32>} : memref<391x128xf32, #tpu.memory_space<vmem>>, vector<391x128xf32>,
      %reduce_max3A = vector.shape_cast %min3A : vector<391x128xf32> to vector<1x391x128xf32>
      %reduce_max3A_91 = arith.constant dense<0xFF800000> : vector<1xf32>
      %reduce_max3A_92 = vector.multi_reduction <maximumf>, %reduce_max3A, %reduce_max3A_91 [1, 2] : vector<1x391x128xf32> to vector<1xf32>
      %reduce_max3A_93 = vector.shape_cast %reduce_max3A_92 : vector<1xf32> to vector<1x1x1xf32>
      %reduce_max3A_94 = vector.extract %reduce_max3A_93[0, 0, 0] : f32 from vector<1x1x1xf32>
      %eq3A_95 = vector.broadcast %reduce_max3A_94 : f32 to vector<391x128xf32>
      %eq3A_96 = arith.cmpf oeq, %min3A, %eq3A_95 : vector<391x128xf32>
      %jit3A_97 = arith.constant 1073741824 : i32
      %broadcast_in_dim3A_98 = vector.broadcast %jit3A_97 : i32 to vector<391x128xi32>
      %select_n3A_99 = arith.select %eq3A_96, %add3A, %broadcast_in_dim3A_98 : vector<391x128xi1>, vector<391x128xi32>
      %reduce_min3A = vector.shape_cast %select_n3A_99 : vector<391x128xi32> to vector<1x391x128xi32>
      %reduce_min3A_100 = arith.constant dense<2147483647> : vector<1xi32>
      %reduce_min3A_101 = vector.multi_reduction <minsi>, %reduce_min3A, %reduce_min3A_100 [1, 2] : vector<1x391x128xi32> to vector<1xi32>
      %reduce_min3A_102 = vector.shape_cast %reduce_min3A_101 : vector<1xi32> to vector<1x1x1xi32>
      %reduce_min3A_103 = vector.extract %reduce_min3A_102[0, 0, 0] : i32 from vector<1x1x1xi32>
      %jit3A_104 = arith.constant 128 : i32
      %div3A = arith.divsi %reduce_min3A_103, %jit3A_104 : i32
      %sign3A = arith.constant 0 : i32
      %sign3A_105 = arith.cmpi sgt, %reduce_min3A_103, %sign3A : i32
      %sign3A_106 = arith.extui %sign3A_105 : i1 to i32
      %sign3A_107 = arith.constant 0 : i32
      %sign3A_108 = arith.cmpi slt, %reduce_min3A_103, %sign3A_107 : i32
      %sign3A_109 = arith.extui %sign3A_108 : i1 to i32
      %sign3A_110 = arith.subi %sign3A_106, %sign3A_109 : i32
      %sign3A_111 = arith.constant 0 : i32
      %sign3A_112 = arith.cmpi sgt, %jit3A_104, %sign3A_111 : i32
      %sign3A_113 = arith.extui %sign3A_112 : i1 to i32
      %sign3A_114 = arith.constant 0 : i32
      %sign3A_115 = arith.cmpi slt, %jit3A_104, %sign3A_114 : i32
      %sign3A_116 = arith.extui %sign3A_115 : i1 to i32
      %sign3A_117 = arith.subi %sign3A_113, %sign3A_116 : i32
      %ne3A = arith.cmpi ne, %sign3A_110, %sign3A_117 : i32
      %rem3A = arith.remsi %reduce_min3A_103, %jit3A_104 : i32
      %ne3A_118 = arith.constant 0 : i32
      %ne3A_119 = arith.cmpi ne, %rem3A, %ne3A_118 : i32
      %and3A = arith.andi %ne3A, %ne3A_119 : i1
      %sub3A_120 = arith.constant 1 : i32
      %sub3A_121 = arith.subi %div3A, %sub3A_120 : i32
      %select_n3A_122 = arith.select %and3A, %sub3A_121, %div3A : i32
      %mul3A_123 = arith.constant 128 : i32
      %mul3A_124 = arith.muli %select_n3A_122, %mul3A_123 : i32
      %sub3A_125 = arith.subi %reduce_min3A_103, %mul3A_124 : i32
      %get3A_126 = arith.index_cast %select_n3A_122 : i32 to index
      %get3A_127 = arith.constant 0 : index
      %get3A_128 = vector.load %arg0[%get3A_126, %get3A_127] : memref<391x128xf32, #tpu.memory_space<vmem>>, vector<1x128xf32>
      %eq3A_129 = vector.broadcast %sub3A_125 : i32 to vector<1x128xi32>
      %eq3A_130 = arith.cmpi eq, %iota3A_9, %eq3A_129 : vector<1x128xi32>
      %jit3A_131 = arith.constant 0.000000e+00 : f32
      %broadcast_in_dim3A_132 = vector.broadcast %jit3A_131 : f32 to vector<1x128xf32>
      %select_n3A_133 = arith.select %eq3A_130, %get3A_128, %broadcast_in_dim3A_132 : vector<1x128xi1>, vector<1x128xf32>
      %reduce_sum3A_134 = vector.shape_cast %select_n3A_133 : vector<1x128xf32> to vector<1x1x128xf32>
      %reduce_sum3A_135 = arith.constant dense<0.000000e+00> : vector<1xf32>
      %reduce_sum3A_136 = vector.multi_reduction <add>, %reduce_sum3A_134, %reduce_sum3A_135 [1, 2] : vector<1x1x128xf32> to vector<1xf32>
      %reduce_sum3A_137 = vector.shape_cast %reduce_sum3A_136 : vector<1xf32> to vector<1x1x1xf32>
      %reduce_sum3A_138 = vector.extract %reduce_sum3A_137[0, 0, 0] : f32 from vector<1x1x1xf32>
      %get3A_139 = arith.index_cast %select_n3A_122 : i32 to index
      %get3A_140 = arith.constant 0 : index
      %get3A_141 = vector.load %arg1[%get3A_139, %get3A_140] : memref<391x128xf32, #tpu.memory_space<vmem>>, vector<1x128xf32>
      %eq3A_142 = vector.broadcast %sub3A_125 : i32 to vector<1x128xi32>
      %eq3A_143 = arith.cmpi eq, %iota3A_9, %eq3A_142 : vector<1x128xi32>
      %jit3A_144 = arith.constant 0.000000e+00 : f32
      %broadcast_in_dim3A_145 = vector.broadcast %jit3A_144 : f32 to vector<1x128xf32>
      %select_n3A_146 = arith.select %eq3A_143, %get3A_141, %broadcast_in_dim3A_145 : vector<1x128xi1>, vector<1x128xf32>
      %reduce_sum3A_147 = vector.shape_cast %select_n3A_146 : vector<1x128xf32> to vector<1x1x128xf32>
      %reduce_sum3A_148 = arith.constant dense<0.000000e+00> : vector<1xf32>
      %reduce_sum3A_149 = vector.multi_reduction <add>, %reduce_sum3A_147, %reduce_sum3A_148 [1, 2] : vector<1x1x128xf32> to vector<1xf32>
      %reduce_sum3A_150 = vector.shape_cast %reduce_sum3A_149 : vector<1xf32> to vector<1x1x1xf32>
      %reduce_sum3A_151 = vector.extract %reduce_sum3A_150[0, 0, 0] : f32 from vector<1x1x1xf32>
      %get3A_152 = arith.index_cast %select_n3A_122 : i32 to index
      %get3A_153 = arith.constant 0 : index
      %get3A_154 = vector.load %arg2[%get3A_152, %get3A_153] : memref<391x128xf32, #tpu.memory_space<vmem>>, vector<1x128xf32>
      %eq3A_155 = vector.broadcast %sub3A_125 : i32 to vector<1x128xi32>
      %eq3A_156 = arith.cmpi eq, %iota3A_9, %eq3A_155 : vector<1x128xi32>
      %jit3A_157 = arith.constant 0.000000e+00 : f32
      %broadcast_in_dim3A_158 = vector.broadcast %jit3A_157 : f32 to vector<1x128xf32>
      %select_n3A_159 = arith.select %eq3A_156, %get3A_154, %broadcast_in_dim3A_158 : vector<1x128xi1>, vector<1x128xf32>
      %reduce_sum3A_160 = vector.shape_cast %select_n3A_159 : vector<1x128xf32> to vector<1x1x128xf32>
      %reduce_sum3A_161 = arith.constant dense<0.000000e+00> : vector<1xf32>
      %reduce_sum3A_162 = vector.multi_reduction <add>, %reduce_sum3A_160, %reduce_sum3A_161 [1, 2] : vector<1x1x128xf32> to vector<1xf32>
      %reduce_sum3A_163 = vector.shape_cast %reduce_sum3A_162 : vector<1xf32> to vector<1x1x1xf32>
      %reduce_sum3A_164 = vector.extract %reduce_sum3A_163[0, 0, 0] : f32 from vector<1x1x1xf32>
      %swap3A_165 = arith.index_cast %scan3A_60 : i32 to index
      %swap3A_166 = memref.load %arg3[%swap3A_165] : memref<2048xf32, #tpu.memory_space<smem>>
      memref.store %reduce_sum3A_138, %arg3[%swap3A_165] : memref<2048xf32, #tpu.memory_space<smem>>
      %swap3A_167 = arith.index_cast %scan3A_60 : i32 to index
      %swap3A_168 = memref.load %arg4[%swap3A_167] : memref<2048xf32, #tpu.memory_space<smem>>
      memref.store %reduce_sum3A_151, %arg4[%swap3A_167] : memref<2048xf32, #tpu.memory_space<smem>>
      %swap3A_169 = arith.index_cast %scan3A_60 : i32 to index
      %swap3A_170 = memref.load %arg5[%swap3A_169] : memref<2048xf32, #tpu.memory_space<smem>>
      memref.store %reduce_sum3A_164, %arg5[%swap3A_169] : memref<2048xf32, #tpu.memory_space<smem>>
      scf.yield %reduce_sum3A_138, %reduce_sum3A_151, %reduce_sum3A_164 : f32, f32, f32
    }
    %scan3A_59 = arith.constant 2047 : i32
    return
  }
}

module attributes {stable_mosaic.version = 14 : i64} {
  func.func @_knn1_body(%arg0: i32, %arg1: memref<16x1xf32, #tpu.memory_space<vmem>>, %arg2: memref<16x1xf32, #tpu.memory_space<vmem>>, %arg3: memref<16x1xf32, #tpu.memory_space<vmem>>, %arg4: memref<1x50048xf32, #tpu.memory_space<vmem>>, %arg5: memref<1x50048xf32, #tpu.memory_space<vmem>>, %arg6: memref<1x50048xf32, #tpu.memory_space<vmem>>, %arg7: memref<16x50048xf32, #tpu.memory_space<vmem>>) attributes {dimension_semantics = [#tpu.dimension_semantics<arbitrary>], iteration_bounds = array<i64: 128>, scalar_prefetch = 0 : i64, scratch_operands = 0 : i64, tpu.core_type = #tpu.core_type<tc>, window_params = [{transform_indices = @transform_0, window_bounds = array<i64: 16, 1>}, {transform_indices = @transform_1, window_bounds = array<i64: 16, 1>}, {transform_indices = @transform_2, window_bounds = array<i64: 16, 1>}, {pipeline_mode = #tpu.pipeline_mode<synchronous>, transform_indices = @transform_3, window_bounds = array<i64: 1, 50048>}, {pipeline_mode = #tpu.pipeline_mode<synchronous>, transform_indices = @transform_4, window_bounds = array<i64: 1, 50048>}, {pipeline_mode = #tpu.pipeline_mode<synchronous>, transform_indices = @transform_5, window_bounds = array<i64: 1, 50048>}, {transform_indices = @transform_6, window_bounds = array<i64: 16, 50048>}]} {
    %get3A = arith.constant 0 : index
    %get3A_0 = arith.constant 0 : index
    %get3A_1 = vector.load %arg1[%get3A, %get3A_0] : memref<16x1xf32, #tpu.memory_space<vmem>>, vector<16x1xf32>
    %get3A_2 = arith.constant 0 : index
    %get3A_3 = arith.constant 0 : index
    %get3A_4 = vector.load %arg4[%get3A_2, %get3A_3] : memref<1x50048xf32, #tpu.memory_space<vmem>>, vector<1x50048xf32>
    %sub3A = vector.broadcast %get3A_1 : vector<16x1xf32> to vector<16x50048xf32>
    %sub3A_5 = vector.broadcast %get3A_4 : vector<1x50048xf32> to vector<16x50048xf32>
    %sub3A_6 = arith.subf %sub3A, %sub3A_5 : vector<16x50048xf32>
    %get3A_7 = arith.constant 0 : index
    %get3A_8 = arith.constant 0 : index
    %get3A_9 = vector.load %arg2[%get3A_7, %get3A_8] : memref<16x1xf32, #tpu.memory_space<vmem>>, vector<16x1xf32>
    %get3A_10 = arith.constant 0 : index
    %get3A_11 = arith.constant 0 : index
    %get3A_12 = vector.load %arg5[%get3A_10, %get3A_11] : memref<1x50048xf32, #tpu.memory_space<vmem>>, vector<1x50048xf32>
    %sub3A_13 = vector.broadcast %get3A_9 : vector<16x1xf32> to vector<16x50048xf32>
    %sub3A_14 = vector.broadcast %get3A_12 : vector<1x50048xf32> to vector<16x50048xf32>
    %sub3A_15 = arith.subf %sub3A_13, %sub3A_14 : vector<16x50048xf32>
    %get3A_16 = arith.constant 0 : index
    %get3A_17 = arith.constant 0 : index
    %get3A_18 = vector.load %arg3[%get3A_16, %get3A_17] : memref<16x1xf32, #tpu.memory_space<vmem>>, vector<16x1xf32>
    %get3A_19 = arith.constant 0 : index
    %get3A_20 = arith.constant 0 : index
    %get3A_21 = vector.load %arg6[%get3A_19, %get3A_20] : memref<1x50048xf32, #tpu.memory_space<vmem>>, vector<1x50048xf32>
    %sub3A_22 = vector.broadcast %get3A_18 : vector<16x1xf32> to vector<16x50048xf32>
    %sub3A_23 = vector.broadcast %get3A_21 : vector<1x50048xf32> to vector<16x50048xf32>
    %sub3A_24 = arith.subf %sub3A_22, %sub3A_23 : vector<16x50048xf32>
    %mul3A = arith.mulf %sub3A_6, %sub3A_6 : vector<16x50048xf32>
    %mul3A_25 = arith.mulf %sub3A_15, %sub3A_15 : vector<16x50048xf32>
    %add3A = arith.addf %mul3A, %mul3A_25 : vector<16x50048xf32>
    %mul3A_26 = arith.mulf %sub3A_24, %sub3A_24 : vector<16x50048xf32>
    %add3A_27 = arith.addf %add3A, %mul3A_26 : vector<16x50048xf32>
    %swap3A = arith.constant 0 : index
    %swap3A_28 = arith.constant 0 : index
    %swap3A_29 = vector.load %arg7[%swap3A, %swap3A_28] : memref<16x50048xf32, #tpu.memory_space<vmem>>, vector<16x50048xf32>
    tpu.vector_store %arg7[%swap3A, %swap3A_28], %add3A_27 {strides = array<i32>} : memref<16x50048xf32, #tpu.memory_space<vmem>>, vector<16x50048xf32>,
    return
  }
  func.func @transform_0(%arg0: i32) -> (i32, i32) {
    %c0_i32 = arith.constant 0 : i32
    %c0_i32_0 = arith.constant 0 : i32
    return %arg0, %c0_i32 : i32, i32
  }
  func.func @transform_1(%arg0: i32) -> (i32, i32) {
    %c0_i32 = arith.constant 0 : i32
    %c0_i32_0 = arith.constant 0 : i32
    return %arg0, %c0_i32 : i32, i32
  }
  func.func @transform_2(%arg0: i32) -> (i32, i32) {
    %c0_i32 = arith.constant 0 : i32
    %c0_i32_0 = arith.constant 0 : i32
    return %arg0, %c0_i32 : i32, i32
  }
  func.func @transform_3(%arg0: i32) -> (i32, i32) {
    %c0_i32 = arith.constant 0 : i32
    %c0_i32_0 = arith.constant 0 : i32
    %c0_i32_1 = arith.constant 0 : i32
    return %c0_i32, %c0_i32_0 : i32, i32
  }
  func.func @transform_4(%arg0: i32) -> (i32, i32) {
    %c0_i32 = arith.constant 0 : i32
    %c0_i32_0 = arith.constant 0 : i32
    %c0_i32_1 = arith.constant 0 : i32
    return %c0_i32, %c0_i32_0 : i32, i32
  }
  func.func @transform_5(%arg0: i32) -> (i32, i32) {
    %c0_i32 = arith.constant 0 : i32
    %c0_i32_0 = arith.constant 0 : i32
    %c0_i32_1 = arith.constant 0 : i32
    return %c0_i32, %c0_i32_0 : i32, i32
  }
  func.func @transform_6(%arg0: i32) -> (i32, i32) {
    %c0_i32 = arith.constant 0 : i32
    %c0_i32_0 = arith.constant 0 : i32
    return %arg0, %c0_i32 : i32, i32
  }
}

module attributes {stable_mosaic.version = 14 : i64} {
  func.func @_mlp_body(%arg0: i32, %arg1: memref<4096x4xf32, #tpu.memory_space<vmem>>, %arg2: memref<4096x4xf32, #tpu.memory_space<vmem>>, %arg3: memref<4096x128xf32, #tpu.memory_space<vmem>>, %arg4: memref<4x128xf32, #tpu.memory_space<vmem>>, %arg5: memref<128x128xf32, #tpu.memory_space<vmem>>, %arg6: memref<1x128xf32, #tpu.memory_space<vmem>>, %arg7: memref<1x128xf32, #tpu.memory_space<vmem>>, %arg8: memref<1x128xf32, #tpu.memory_space<vmem>>, %arg9: memref<128x128xf32, #tpu.memory_space<vmem>>, %arg10: memref<1x128xf32, #tpu.memory_space<vmem>>, %arg11: memref<1x128xf32, #tpu.memory_space<vmem>>, %arg12: memref<1x128xf32, #tpu.memory_space<vmem>>, %arg13: memref<4x128xf32, #tpu.memory_space<vmem>>, %arg14: memref<128x128xf32, #tpu.memory_space<vmem>>, %arg15: memref<1x128xf32, #tpu.memory_space<vmem>>, %arg16: memref<128x1xf32, #tpu.memory_space<vmem>>, %arg17: memref<128x128xf32, #tpu.memory_space<vmem>>, %arg18: memref<1x128xf32, #tpu.memory_space<vmem>>, %arg19: memref<1xf32, #tpu.memory_space<smem>>, %arg20: memref<128x128xf32, #tpu.memory_space<vmem>>) attributes {dimension_semantics = [#tpu.dimension_semantics<arbitrary>], iteration_bounds = array<i64: 16>, scalar_prefetch = 0 : i64, scratch_operands = 0 : i64, tpu.core_type = #tpu.core_type<tc>, window_params = [{transform_indices = @transform_0, window_bounds = array<i64: 4096, 4>}, {transform_indices = @transform_1, window_bounds = array<i64: 4096, 4>}, {transform_indices = @transform_2, window_bounds = array<i64: 4096, 128>}, {pipeline_mode = #tpu.pipeline_mode<synchronous>, transform_indices = @transform_3, window_bounds = array<i64: 4, 128>}, {pipeline_mode = #tpu.pipeline_mode<synchronous>, transform_indices = @transform_4, window_bounds = array<i64: 128, 128>}, {pipeline_mode = #tpu.pipeline_mode<synchronous>, transform_indices = @transform_5, window_bounds = array<i64: 1, 128>}, {pipeline_mode = #tpu.pipeline_mode<synchronous>, transform_indices = @transform_6, window_bounds = array<i64: 1, 128>}, {pipeline_mode = #tpu.pipeline_mode<synchronous>, transform_indices = @transform_7, window_bounds = array<i64: 1, 128>}, {pipeline_mode = #tpu.pipeline_mode<synchronous>, transform_indices = @transform_8, window_bounds = array<i64: 128, 128>}, {pipeline_mode = #tpu.pipeline_mode<synchronous>, transform_indices = @transform_9, window_bounds = array<i64: 1, 128>}, {pipeline_mode = #tpu.pipeline_mode<synchronous>, transform_indices = @transform_10, window_bounds = array<i64: 1, 128>}, {pipeline_mode = #tpu.pipeline_mode<synchronous>, transform_indices = @transform_11, window_bounds = array<i64: 1, 128>}, {pipeline_mode = #tpu.pipeline_mode<synchronous>, transform_indices = @transform_12, window_bounds = array<i64: 4, 128>}, {pipeline_mode = #tpu.pipeline_mode<synchronous>, transform_indices = @transform_13, window_bounds = array<i64: 128, 128>}, {pipeline_mode = #tpu.pipeline_mode<synchronous>, transform_indices = @transform_14, window_bounds = array<i64: 1, 128>}, {pipeline_mode = #tpu.pipeline_mode<synchronous>, transform_indices = @transform_15, window_bounds = array<i64: 128, 1>}, {pipeline_mode = #tpu.pipeline_mode<synchronous>, transform_indices = @transform_16, window_bounds = array<i64: 128, 128>}, {pipeline_mode = #tpu.pipeline_mode<synchronous>, transform_indices = @transform_17, window_bounds = array<i64: 1, 128>}, {transform_indices = @transform_18, window_bounds = array<i64: 1>}, {transform_indices = @transform_19, window_bounds = array<i64: 128, 128>}]} {
    %get3A = arith.constant 0 : index
    %get3A_0 = arith.constant 0 : index
    %get3A_1 = vector.load %arg2[%get3A, %get3A_0] : memref<4096x4xf32, #tpu.memory_space<vmem>>, vector<4096x4xf32>
    %get3A_2 = arith.constant 0 : index
    %get3A_3 = arith.constant 0 : index
    %get3A_4 = vector.load %arg1[%get3A_2, %get3A_3] : memref<4096x4xf32, #tpu.memory_space<vmem>>, vector<4096x4xf32>
    %sub3A = arith.subf %get3A_1, %get3A_4 : vector<4096x4xf32>
    %get3A_5 = arith.constant 0 : index
    %get3A_6 = arith.constant 0 : index
    %get3A_7 = vector.load %arg3[%get3A_5, %get3A_6] : memref<4096x128xf32, #tpu.memory_space<vmem>>, vector<4096x128xf32>
    %get3A_8 = arith.constant 0 : index
    %get3A_9 = arith.constant 0 : index
    %get3A_10 = vector.load %arg4[%get3A_8, %get3A_9] : memref<4x128xf32, #tpu.memory_space<vmem>>, vector<4x128xf32>
    %slice3A = vector.extract_strided_slice %sub3A {offsets = [0, 0], sizes = [4096, 1], strides = [1, 1]} : vector<4096x4xf32> to vector<4096x1xf32>
    %slice3A_11 = vector.extract_strided_slice %get3A_10 {offsets = [0, 0], sizes = [1, 128], strides = [1, 1]} : vector<4x128xf32> to vector<1x128xf32>
    %mul3A = vector.broadcast %slice3A : vector<4096x1xf32> to vector<4096x128xf32>
    %mul3A_12 = vector.broadcast %slice3A_11 : vector<1x128xf32> to vector<4096x128xf32>
    %mul3A_13 = arith.mulf %mul3A, %mul3A_12 : vector<4096x128xf32>
    %slice3A_14 = vector.extract_strided_slice %sub3A {offsets = [0, 1], sizes = [4096, 1], strides = [1, 1]} : vector<4096x4xf32> to vector<4096x1xf32>
    %slice3A_15 = vector.extract_strided_slice %get3A_10 {offsets = [1, 0], sizes = [1, 128], strides = [1, 1]} : vector<4x128xf32> to vector<1x128xf32>
    %mul3A_16 = vector.broadcast %slice3A_14 : vector<4096x1xf32> to vector<4096x128xf32>
    %mul3A_17 = vector.broadcast %slice3A_15 : vector<1x128xf32> to vector<4096x128xf32>
    %mul3A_18 = arith.mulf %mul3A_16, %mul3A_17 : vector<4096x128xf32>
    %add3A = arith.addf %mul3A_13, %mul3A_18 : vector<4096x128xf32>
    %slice3A_19 = vector.extract_strided_slice %sub3A {offsets = [0, 2], sizes = [4096, 1], strides = [1, 1]} : vector<4096x4xf32> to vector<4096x1xf32>
    %slice3A_20 = vector.extract_strided_slice %get3A_10 {offsets = [2, 0], sizes = [1, 128], strides = [1, 1]} : vector<4x128xf32> to vector<1x128xf32>
    %mul3A_21 = vector.broadcast %slice3A_19 : vector<4096x1xf32> to vector<4096x128xf32>
    %mul3A_22 = vector.broadcast %slice3A_20 : vector<1x128xf32> to vector<4096x128xf32>
    %mul3A_23 = arith.mulf %mul3A_21, %mul3A_22 : vector<4096x128xf32>
    %add3A_24 = arith.addf %add3A, %mul3A_23 : vector<4096x128xf32>
    %get3A_25 = arith.constant 0 : index
    %get3A_26 = arith.constant 0 : index
    %get3A_27 = vector.load %arg5[%get3A_25, %get3A_26] : memref<128x128xf32, #tpu.memory_space<vmem>>, vector<128x128xf32>
    %dot_general3A = arith.constant dense<0.000000e+00> : vector<4096x128xf32>
    %dot_general3A_28 = tpu.matmul %get3A_7, %get3A_27, %dot_general3A {dimension_numbers = #tpu.dot_dimension_numbers<[1], [0], [0], [1], [0, 0, 1, 1], [], []>, transpose_lhs_hint = false} : vector<4096x128xf32>, vector<128x128xf32>, vector<4096x128xf32> -> vector<4096x128xf32>
    %add3A_29 = arith.addf %add3A_24, %dot_general3A_28 : vector<4096x128xf32>
    %get3A_30 = arith.constant 0 : index
    %get3A_31 = arith.constant 0 : index
    %get3A_32 = vector.load %arg6[%get3A_30, %get3A_31] : memref<1x128xf32, #tpu.memory_space<vmem>>, vector<1x128xf32>
    %add3A_33 = vector.broadcast %get3A_32 : vector<1x128xf32> to vector<4096x128xf32>
    %add3A_34 = arith.addf %add3A_29, %add3A_33 : vector<4096x128xf32>
    %get3A_35 = arith.constant 0 : index
    %get3A_36 = arith.constant 0 : index
    %get3A_37 = vector.load %arg7[%get3A_35, %get3A_36] : memref<1x128xf32, #tpu.memory_space<vmem>>, vector<1x128xf32>
    %get3A_38 = arith.constant 0 : index
    %get3A_39 = arith.constant 0 : index
    %get3A_40 = vector.load %arg8[%get3A_38, %get3A_39] : memref<1x128xf32, #tpu.memory_space<vmem>>, vector<1x128xf32>
    %reduce_sum3A = arith.constant dense<0.000000e+00> : vector<4096xf32>
    %reduce_sum3A_41 = vector.multi_reduction <add>, %add3A_34, %reduce_sum3A [1] : vector<4096x128xf32> to vector<4096xf32>
    %broadcast_in_dim3A = vector.shape_cast %reduce_sum3A_41 : vector<4096xf32> to vector<4096x1xf32>
    %div3A = arith.constant 1.280000e+02 : f32
    %div3A_42 = vector.broadcast %div3A : f32 to vector<4096x1xf32>
    %div3A_43 = arith.divf %broadcast_in_dim3A, %div3A_42 : vector<4096x1xf32>
    %sub3A_44 = vector.broadcast %div3A_43 : vector<4096x1xf32> to vector<4096x128xf32>
    %sub3A_45 = arith.subf %add3A_34, %sub3A_44 : vector<4096x128xf32>
    %integer_pow3A = arith.mulf %sub3A_45, %sub3A_45 : vector<4096x128xf32>
    %reduce_sum3A_46 = arith.constant dense<0.000000e+00> : vector<4096xf32>
    %reduce_sum3A_47 = vector.multi_reduction <add>, %integer_pow3A, %reduce_sum3A_46 [1] : vector<4096x128xf32> to vector<4096xf32>
    %broadcast_in_dim3A_48 = vector.shape_cast %reduce_sum3A_47 : vector<4096xf32> to vector<4096x1xf32>
    %div3A_49 = arith.constant 1.280000e+02 : f32
    %div3A_50 = vector.broadcast %div3A_49 : f32 to vector<4096x1xf32>
    %div3A_51 = arith.divf %broadcast_in_dim3A_48, %div3A_50 : vector<4096x1xf32>
    %sub3A_52 = vector.broadcast %div3A_43 : vector<4096x1xf32> to vector<4096x128xf32>
    %sub3A_53 = arith.subf %add3A_34, %sub3A_52 : vector<4096x128xf32>
    %add3A_54 = arith.constant 9.99999974E-6 : f32
    %add3A_55 = vector.broadcast %add3A_54 : f32 to vector<4096x1xf32>
    %add3A_56 = arith.addf %div3A_51, %add3A_55 : vector<4096x1xf32>
    %sqrt3A = math.sqrt %add3A_56 : vector<4096x1xf32>
    %div3A_57 = vector.broadcast %sqrt3A : vector<4096x1xf32> to vector<4096x128xf32>
    %div3A_58 = arith.divf %sub3A_53, %div3A_57 : vector<4096x128xf32>
    %mul3A_59 = vector.broadcast %get3A_37 : vector<1x128xf32> to vector<4096x128xf32>
    %mul3A_60 = arith.mulf %div3A_58, %mul3A_59 : vector<4096x128xf32>
    %add3A_61 = vector.broadcast %get3A_40 : vector<1x128xf32> to vector<4096x128xf32>
    %add3A_62 = arith.addf %mul3A_60, %add3A_61 : vector<4096x128xf32>
    %max3A = arith.constant 0.000000e+00 : f32
    %max3A_63 = vector.broadcast %max3A : f32 to vector<4096x128xf32>
    %max3A_64 = arith.maximumf %add3A_62, %max3A_63 : vector<4096x128xf32>
    %get3A_65 = arith.constant 0 : index
    %get3A_66 = arith.constant 0 : index
    %get3A_67 = vector.load %arg9[%get3A_65, %get3A_66] : memref<128x128xf32, #tpu.memory_space<vmem>>, vector<128x128xf32>
    %dot_general3A_68 = arith.constant dense<0.000000e+00> : vector<4096x128xf32>
    %dot_general3A_69 = tpu.matmul %max3A_64, %get3A_67, %dot_general3A_68 {dimension_numbers = #tpu.dot_dimension_numbers<[1], [0], [0], [1], [0, 0, 1, 1], [], []>, transpose_lhs_hint = false} : vector<4096x128xf32>, vector<128x128xf32>, vector<4096x128xf32> -> vector<4096x128xf32>
    %get3A_70 = arith.constant 0 : index
    %get3A_71 = arith.constant 0 : index
    %get3A_72 = vector.load %arg10[%get3A_70, %get3A_71] : memref<1x128xf32, #tpu.memory_space<vmem>>, vector<1x128xf32>
    %add3A_73 = vector.broadcast %get3A_72 : vector<1x128xf32> to vector<4096x128xf32>
    %add3A_74 = arith.addf %dot_general3A_69, %add3A_73 : vector<4096x128xf32>
    %get3A_75 = arith.constant 0 : index
    %get3A_76 = arith.constant 0 : index
    %get3A_77 = vector.load %arg11[%get3A_75, %get3A_76] : memref<1x128xf32, #tpu.memory_space<vmem>>, vector<1x128xf32>
    %get3A_78 = arith.constant 0 : index
    %get3A_79 = arith.constant 0 : index
    %get3A_80 = vector.load %arg12[%get3A_78, %get3A_79] : memref<1x128xf32, #tpu.memory_space<vmem>>, vector<1x128xf32>
    %reduce_sum3A_81 = arith.constant dense<0.000000e+00> : vector<4096xf32>
    %reduce_sum3A_82 = vector.multi_reduction <add>, %add3A_74, %reduce_sum3A_81 [1] : vector<4096x128xf32> to vector<4096xf32>
    %broadcast_in_dim3A_83 = vector.shape_cast %reduce_sum3A_82 : vector<4096xf32> to vector<4096x1xf32>
    %div3A_84 = arith.constant 1.280000e+02 : f32
    %div3A_85 = vector.broadcast %div3A_84 : f32 to vector<4096x1xf32>
    %div3A_86 = arith.divf %broadcast_in_dim3A_83, %div3A_85 : vector<4096x1xf32>
    %sub3A_87 = vector.broadcast %div3A_86 : vector<4096x1xf32> to vector<4096x128xf32>
    %sub3A_88 = arith.subf %add3A_74, %sub3A_87 : vector<4096x128xf32>
    %integer_pow3A_89 = arith.mulf %sub3A_88, %sub3A_88 : vector<4096x128xf32>
    %reduce_sum3A_90 = arith.constant dense<0.000000e+00> : vector<4096xf32>
    %reduce_sum3A_91 = vector.multi_reduction <add>, %integer_pow3A_89, %reduce_sum3A_90 [1] : vector<4096x128xf32> to vector<4096xf32>
    %broadcast_in_dim3A_92 = vector.shape_cast %reduce_sum3A_91 : vector<4096xf32> to vector<4096x1xf32>
    %div3A_93 = arith.constant 1.280000e+02 : f32
    %div3A_94 = vector.broadcast %div3A_93 : f32 to vector<4096x1xf32>
    %div3A_95 = arith.divf %broadcast_in_dim3A_92, %div3A_94 : vector<4096x1xf32>
    %sub3A_96 = vector.broadcast %div3A_86 : vector<4096x1xf32> to vector<4096x128xf32>
    %sub3A_97 = arith.subf %add3A_74, %sub3A_96 : vector<4096x128xf32>
    %add3A_98 = arith.constant 9.99999974E-6 : f32
    %add3A_99 = vector.broadcast %add3A_98 : f32 to vector<4096x1xf32>
    %add3A_100 = arith.addf %div3A_95, %add3A_99 : vector<4096x1xf32>
    %sqrt3A_101 = math.sqrt %add3A_100 : vector<4096x1xf32>
    %div3A_102 = vector.broadcast %sqrt3A_101 : vector<4096x1xf32> to vector<4096x128xf32>
    %div3A_103 = arith.divf %sub3A_97, %div3A_102 : vector<4096x128xf32>
    %mul3A_104 = vector.broadcast %get3A_77 : vector<1x128xf32> to vector<4096x128xf32>
    %mul3A_105 = arith.mulf %div3A_103, %mul3A_104 : vector<4096x128xf32>
    %add3A_106 = vector.broadcast %get3A_80 : vector<1x128xf32> to vector<4096x128xf32>
    %add3A_107 = arith.addf %mul3A_105, %add3A_106 : vector<4096x128xf32>
    %max3A_108 = arith.constant 0.000000e+00 : f32
    %max3A_109 = vector.broadcast %max3A_108 : f32 to vector<4096x128xf32>
    %max3A_110 = arith.maximumf %add3A_107, %max3A_109 : vector<4096x128xf32>
    %get3A_111 = arith.constant 0 : index
    %get3A_112 = arith.constant 0 : index
    %get3A_113 = vector.load %arg13[%get3A_111, %get3A_112] : memref<4x128xf32, #tpu.memory_space<vmem>>, vector<4x128xf32>
    %slice3A_114 = vector.extract_strided_slice %sub3A {offsets = [0, 0], sizes = [4096, 1], strides = [1, 1]} : vector<4096x4xf32> to vector<4096x1xf32>
    %slice3A_115 = vector.extract_strided_slice %get3A_113 {offsets = [0, 0], sizes = [1, 128], strides = [1, 1]} : vector<4x128xf32> to vector<1x128xf32>
    %mul3A_116 = vector.broadcast %slice3A_114 : vector<4096x1xf32> to vector<4096x128xf32>
    %mul3A_117 = vector.broadcast %slice3A_115 : vector<1x128xf32> to vector<4096x128xf32>
    %mul3A_118 = arith.mulf %mul3A_116, %mul3A_117 : vector<4096x128xf32>
    %slice3A_119 = vector.extract_strided_slice %sub3A {offsets = [0, 1], sizes = [4096, 1], strides = [1, 1]} : vector<4096x4xf32> to vector<4096x1xf32>
    %slice3A_120 = vector.extract_strided_slice %get3A_113 {offsets = [1, 0], sizes = [1, 128], strides = [1, 1]} : vector<4x128xf32> to vector<1x128xf32>
    %mul3A_121 = vector.broadcast %slice3A_119 : vector<4096x1xf32> to vector<4096x128xf32>
    %mul3A_122 = vector.broadcast %slice3A_120 : vector<1x128xf32> to vector<4096x128xf32>
    %mul3A_123 = arith.mulf %mul3A_121, %mul3A_122 : vector<4096x128xf32>
    %add3A_124 = arith.addf %mul3A_118, %mul3A_123 : vector<4096x128xf32>
    %slice3A_125 = vector.extract_strided_slice %sub3A {offsets = [0, 2], sizes = [4096, 1], strides = [1, 1]} : vector<4096x4xf32> to vector<4096x1xf32>
    %slice3A_126 = vector.extract_strided_slice %get3A_113 {offsets = [2, 0], sizes = [1, 128], strides = [1, 1]} : vector<4x128xf32> to vector<1x128xf32>
    %mul3A_127 = vector.broadcast %slice3A_125 : vector<4096x1xf32> to vector<4096x128xf32>
    %mul3A_128 = vector.broadcast %slice3A_126 : vector<1x128xf32> to vector<4096x128xf32>
    %mul3A_129 = arith.mulf %mul3A_127, %mul3A_128 : vector<4096x128xf32>
    %add3A_130 = arith.addf %add3A_124, %mul3A_129 : vector<4096x128xf32>
    %get3A_131 = arith.constant 0 : index
    %get3A_132 = arith.constant 0 : index
    %get3A_133 = vector.load %arg14[%get3A_131, %get3A_132] : memref<128x128xf32, #tpu.memory_space<vmem>>, vector<128x128xf32>
    %dot_general3A_134 = arith.constant dense<0.000000e+00> : vector<4096x128xf32>
    %dot_general3A_135 = tpu.matmul %max3A_110, %get3A_133, %dot_general3A_134 {dimension_numbers = #tpu.dot_dimension_numbers<[1], [0], [0], [1], [0, 0, 1, 1], [], []>, transpose_lhs_hint = false} : vector<4096x128xf32>, vector<128x128xf32>, vector<4096x128xf32> -> vector<4096x128xf32>
    %add3A_136 = arith.addf %add3A_130, %dot_general3A_135 : vector<4096x128xf32>
    %get3A_137 = arith.constant 0 : index
    %get3A_138 = arith.constant 0 : index
    %get3A_139 = vector.load %arg15[%get3A_137, %get3A_138] : memref<1x128xf32, #tpu.memory_space<vmem>>, vector<1x128xf32>
    %add3A_140 = vector.broadcast %get3A_139 : vector<1x128xf32> to vector<4096x128xf32>
    %add3A_141 = arith.addf %add3A_136, %add3A_140 : vector<4096x128xf32>
    %max3A_142 = arith.constant 0.000000e+00 : f32
    %max3A_143 = vector.broadcast %max3A_142 : f32 to vector<4096x128xf32>
    %max3A_144 = arith.maximumf %add3A_141, %max3A_143 : vector<4096x128xf32>
    %get3A_145 = arith.constant 0 : index
    %get3A_146 = arith.constant 0 : index
    %get3A_147 = vector.load %arg16[%get3A_145, %get3A_146] : memref<128x1xf32, #tpu.memory_space<vmem>>, vector<128x1xf32>
    %dot_general3A_148 = arith.constant dense<0.000000e+00> : vector<4096x1xf32>
    %dot_general3A_149 = tpu.matmul %max3A_144, %get3A_147, %dot_general3A_148 {dimension_numbers = #tpu.dot_dimension_numbers<[1], [0], [0], [1], [0, 0, 1, 1], [], []>, transpose_lhs_hint = false} : vector<4096x128xf32>, vector<128x1xf32>, vector<4096x1xf32> -> vector<4096x1xf32>
    %get3A_150 = arith.constant 0 : index
    %get3A_151 = memref.load %arg19[%get3A_150] : memref<1xf32, #tpu.memory_space<smem>>
    %add3A_152 = vector.broadcast %get3A_151 : f32 to vector<4096x1xf32>
    %add3A_153 = arith.addf %dot_general3A_149, %add3A_152 : vector<4096x1xf32>
    %reshape3A = vector.shape_cast %add3A_153 : vector<4096x1xf32> to vector<128x32x1xf32>
    %reduce_max3A = arith.constant dense<0xFF800000> : vector<128x1xf32>
    %reduce_max3A_154 = vector.multi_reduction <maximumf>, %reshape3A, %reduce_max3A [1] : vector<128x32x1xf32> to vector<128x1xf32>
    %broadcast_in_dim3A_155 = vector.shape_cast %reduce_max3A_154 : vector<128x1xf32> to vector<128x1x1xf32>
    %sub3A_156 = vector.broadcast %broadcast_in_dim3A_155 : vector<128x1x1xf32> to vector<128x32x1xf32>
    %sub3A_157 = arith.subf %reshape3A, %sub3A_156 : vector<128x32x1xf32>
    %exp3A = math.exp %sub3A_157 : vector<128x32x1xf32>
    %reduce_sum3A_158 = arith.constant dense<0.000000e+00> : vector<128x1xf32>
    %reduce_sum3A_159 = vector.multi_reduction <add>, %exp3A, %reduce_sum3A_158 [1] : vector<128x32x1xf32> to vector<128x1xf32>
    %broadcast_in_dim3A_160 = vector.shape_cast %reduce_sum3A_159 : vector<128x1xf32> to vector<128x1x1xf32>
    %div3A_161 = vector.broadcast %broadcast_in_dim3A_160 : vector<128x1x1xf32> to vector<128x32x1xf32>
    %div3A_162 = arith.divf %exp3A, %div3A_161 : vector<128x32x1xf32>
    %reshape3A_163 = vector.shape_cast %max3A_110 : vector<4096x128xf32> to vector<128x32x128xf32>
    %mul3A_164 = vector.broadcast %div3A_162 : vector<128x32x1xf32> to vector<128x32x128xf32>
    %mul3A_165 = arith.mulf %reshape3A_163, %mul3A_164 : vector<128x32x128xf32>
    %reduce_sum3A_166 = arith.constant dense<0.000000e+00> : vector<128x128xf32>
    %reduce_sum3A_167 = vector.multi_reduction <add>, %mul3A_165, %reduce_sum3A_166 [1] : vector<128x32x128xf32> to vector<128x128xf32>
    %get3A_168 = arith.constant 0 : index
    %get3A_169 = arith.constant 0 : index
    %get3A_170 = vector.load %arg17[%get3A_168, %get3A_169] : memref<128x128xf32, #tpu.memory_space<vmem>>, vector<128x128xf32>
    %dot_general3A_171 = arith.constant dense<0.000000e+00> : vector<128x128xf32>
    %dot_general3A_172 = tpu.matmul %reduce_sum3A_167, %get3A_170, %dot_general3A_171 {dimension_numbers = #tpu.dot_dimension_numbers<[1], [0], [0], [1], [0, 0, 1, 1], [], []>, transpose_lhs_hint = false} : vector<128x128xf32>, vector<128x128xf32>, vector<128x128xf32> -> vector<128x128xf32>
    %get3A_173 = arith.constant 0 : index
    %get3A_174 = arith.constant 0 : index
    %get3A_175 = vector.load %arg18[%get3A_173, %get3A_174] : memref<1x128xf32, #tpu.memory_space<vmem>>, vector<1x128xf32>
    %add3A_176 = vector.broadcast %get3A_175 : vector<1x128xf32> to vector<128x128xf32>
    %add3A_177 = arith.addf %dot_general3A_172, %add3A_176 : vector<128x128xf32>
    %swap3A = arith.constant 0 : index
    %swap3A_178 = arith.constant 0 : index
    %swap3A_179 = vector.load %arg20[%swap3A, %swap3A_178] : memref<128x128xf32, #tpu.memory_space<vmem>>, vector<128x128xf32>
    tpu.vector_store %arg20[%swap3A, %swap3A_178], %add3A_177 {strides = array<i32>} : memref<128x128xf32, #tpu.memory_space<vmem>>, vector<128x128xf32>,
    return
  }
  func.func @transform_0(%arg0: i32) -> (i32, i32) {
    %c0_i32 = arith.constant 0 : i32
    %c0_i32_0 = arith.constant 0 : i32
    return %arg0, %c0_i32 : i32, i32
  }
  func.func @transform_1(%arg0: i32) -> (i32, i32) {
    %c0_i32 = arith.constant 0 : i32
    %c0_i32_0 = arith.constant 0 : i32
    return %arg0, %c0_i32 : i32, i32
  }
  func.func @transform_2(%arg0: i32) -> (i32, i32) {
    %c0_i32 = arith.constant 0 : i32
    %c0_i32_0 = arith.constant 0 : i32
    return %arg0, %c0_i32 : i32, i32
  }
  func.func @transform_3(%arg0: i32) -> (i32, i32) {
    %c0_i32 = arith.constant 0 : i32
    %c0_i32_0 = arith.constant 0 : i32
    %c0_i32_1 = arith.constant 0 : i32
    return %c0_i32, %c0_i32_0 : i32, i32
  }
  func.func @transform_4(%arg0: i32) -> (i32, i32) {
    %c0_i32 = arith.constant 0 : i32
    %c0_i32_0 = arith.constant 0 : i32
    %c0_i32_1 = arith.constant 0 : i32
    return %c0_i32, %c0_i32_0 : i32, i32
  }
  func.func @transform_5(%arg0: i32) -> (i32, i32) {
    %c0_i32 = arith.constant 0 : i32
    %c0_i32_0 = arith.constant 0 : i32
    %c0_i32_1 = arith.constant 0 : i32
    return %c0_i32, %c0_i32_0 : i32, i32
  }
  func.func @transform_6(%arg0: i32) -> (i32, i32) {
    %c0_i32 = arith.constant 0 : i32
    %c0_i32_0 = arith.constant 0 : i32
    %c0_i32_1 = arith.constant 0 : i32
    return %c0_i32, %c0_i32_0 : i32, i32
  }
  func.func @transform_7(%arg0: i32) -> (i32, i32) {
    %c0_i32 = arith.constant 0 : i32
    %c0_i32_0 = arith.constant 0 : i32
    %c0_i32_1 = arith.constant 0 : i32
    return %c0_i32, %c0_i32_0 : i32, i32
  }
  func.func @transform_8(%arg0: i32) -> (i32, i32) {
    %c0_i32 = arith.constant 0 : i32
    %c0_i32_0 = arith.constant 0 : i32
    %c0_i32_1 = arith.constant 0 : i32
    return %c0_i32, %c0_i32_0 : i32, i32
  }
  func.func @transform_9(%arg0: i32) -> (i32, i32) {
    %c0_i32 = arith.constant 0 : i32
    %c0_i32_0 = arith.constant 0 : i32
    %c0_i32_1 = arith.constant 0 : i32
    return %c0_i32, %c0_i32_0 : i32, i32
  }
  func.func @transform_10(%arg0: i32) -> (i32, i32) {
    %c0_i32 = arith.constant 0 : i32
    %c0_i32_0 = arith.constant 0 : i32
    %c0_i32_1 = arith.constant 0 : i32
    return %c0_i32, %c0_i32_0 : i32, i32
  }
  func.func @transform_11(%arg0: i32) -> (i32, i32) {
    %c0_i32 = arith.constant 0 : i32
    %c0_i32_0 = arith.constant 0 : i32
    %c0_i32_1 = arith.constant 0 : i32
    return %c0_i32, %c0_i32_0 : i32, i32
  }
  func.func @transform_12(%arg0: i32) -> (i32, i32) {
    %c0_i32 = arith.constant 0 : i32
    %c0_i32_0 = arith.constant 0 : i32
    %c0_i32_1 = arith.constant 0 : i32
    return %c0_i32, %c0_i32_0 : i32, i32
  }
  func.func @transform_13(%arg0: i32) -> (i32, i32) {
    %c0_i32 = arith.constant 0 : i32
    %c0_i32_0 = arith.constant 0 : i32
    %c0_i32_1 = arith.constant 0 : i32
    return %c0_i32, %c0_i32_0 : i32, i32
  }
  func.func @transform_14(%arg0: i32) -> (i32, i32) {
    %c0_i32 = arith.constant 0 : i32
    %c0_i32_0 = arith.constant 0 : i32
    %c0_i32_1 = arith.constant 0 : i32
    return %c0_i32, %c0_i32_0 : i32, i32
  }
  func.func @transform_15(%arg0: i32) -> (i32, i32) {
    %c0_i32 = arith.constant 0 : i32
    %c0_i32_0 = arith.constant 0 : i32
    %c0_i32_1 = arith.constant 0 : i32
    return %c0_i32, %c0_i32_0 : i32, i32
  }
  func.func @transform_16(%arg0: i32) -> (i32, i32) {
    %c0_i32 = arith.constant 0 : i32
    %c0_i32_0 = arith.constant 0 : i32
    %c0_i32_1 = arith.constant 0 : i32
    return %c0_i32, %c0_i32_0 : i32, i32
  }
  func.func @transform_17(%arg0: i32) -> (i32, i32) {
    %c0_i32 = arith.constant 0 : i32
    %c0_i32_0 = arith.constant 0 : i32
    %c0_i32_1 = arith.constant 0 : i32
    return %c0_i32, %c0_i32_0 : i32, i32
  }
  func.func @transform_18(%arg0: i32) -> i32 {
    %c0_i32 = arith.constant 0 : i32
    %c0_i32_0 = arith.constant 0 : i32
    return %c0_i32 : i32
  }
  func.func @transform_19(%arg0: i32) -> (i32, i32) {
    %c0_i32 = arith.constant 0 : i32
    %c0_i32_0 = arith.constant 0 : i32
    return %arg0, %c0_i32 : i32, i32
  }
}

</mosaic_0001>

<sc_bundles>
// kernel: gather_offload_async_start.1
scs
__scs_entry_jumppad:
0x0: {  	(pc) =	sbr.rel $0x88, $3  }
0x1: {  	(tag) =	ssettag $0x0;
	lr =	simm.s32 $0x1  }
0x2: {  	[smem:$0x3F91] =	sst lr;
	_ =	strace $0xD0000000  }
0x3: {  	_ = 	snop  }
0x4: {  	_ = 	snop  }
0x5: {  	_ = 	snop  }
0x6: {  	_ = 	snop  }
0x7: {  	_ = 	snop  }
__scs_overlays_trampoline_lowered:
0x8: {  	[smem:$0x3FA0] =	sst s0  }
0x9: {  	[smem:$0x3FA1] =	sst s1  }
0xa: {  	[smem:$0x3FA2] =	sst s2  }
0xb: {  	[smem:$0x3FA3] =	sst s3  }
0xc: {  	[smem:$0x3FA4] =	sst s4  }
0xd: {  	[smem:$0x3FA5] =	sst s5  }
0xe: {  	[smem:$0x3FA6] =	sst s6  }
0xf: {  	[smem:$0x3FA7] =	sst s7  }
0x10: {  	[smem:$0x3FA8] =	sst s8  }
0x11: {  	[smem:$0x3FA9] =	sst s9;
	s0 =	simm.s32 @!p0 $0x0  }
0x12: {  	s1 =	sld [smem:$0x3F8F];
	s0 =	simm.s32 @p0 $0x1  }
0x13: {  	[smem:$0x3FAA] =	sst s0;
	s0 =	simm.s32 @!p1 $0x0  }
0x14: {  	s2 =	sld [smem:$0x3F8E];
	s0 =	simm.s32 @p1 $0x1  }
0x15: {  	[smem:$0x3FAB] =	sst s0;
	s0 =	simm.s32 @!p2 $0x0  }
0x16: {  	s3 =	sld [smem:$0x3FDB];
	s0 =	simm.s32 @p2 $0x1  }
0x17: {  	s4 =	simm.s32 $0x1BF5;
	[smem:$0x3FAD] =	sst s0  }
0x18: {  	s0 =	sld [smem:$0x3F90];
	_ =	swait.ge [sflag:s4], $0x0  }
0x19: {  	s7 =	sld [smem:$0x3F91]  }
0x1a: {  	s8 =	sadd.s32 $0xFFFFE003, lr  }
0x1b: {  	s9 =	sadd.s32 $0xFFFFFEF7, lr;
	s5 =	simm.s32 $0xFFFFFFFF;
	p2 =	slt.u32 s8, $0xFFFFF086  }
0x1c: {  	p1 =	slt.u32 s9, $0xF7A;
	s5 =	simm.s32 @!p2 $0x0  }
0x1d: {  	s5 =	simm.s32 @p1 $0x1;
	p0 =	seq.s32 s7, s2  }
0x1e: {  	s7 =	smul.u32 @!p0 $0xF7A, s2;
	p2 =	seq.s32 @!p0 s5, $0x0  }
0x1f: {  	s9 =	smul.u32 $0xF7A, s1;
	s8 =	simm.s32 @!p0 $0x1BF5;
	p2 =	por !p2, p0  }
0x20: {  	[sflag:s8] =	ssyncset.s32 @!p0 $0xFFFFF086;
	s6 =	sadd.s32 @!p0 s3, s7;
	s7 =	simm.s32 @!p0 $0x108  }
0x21: {  	s3 =	sadd.s32 s3, s9;
	s6 =	sadd.s32 @!p0 $0x88, s6;
	s7 =	simm.s32 @p2 $0x1082  }
0x22: {  	[simem:s7], [sflag:s8] =	dma.local @!p0 [hbm:s6], $0xF7A  }
0x23: {  	s9 =	sor.u32 $0xD0000000, s2;
	s6 =	simm.s32 $0x108;
	_ =	swait.ge @!p0 [sflag:s8], $0x0  }
0x24: {  	s3 =	sadd.s32 $0x88, s3;
	s6 =	simm.s32 @!p1 $0x1082;
	[sflag:s4] =	ssyncset.s32 $0xFFFFF086  }
0x25: {  	[simem:s6], [sflag:s4] =	dma.local [hbm:s3], $0xF7A  }
0x26: {  	[smem:$0x3F91] =	sst s1;
	(tag) =	ssettag s2;
	_ =	strace s9  }
0x27: {  	s1 =	sld [smem:$0x3FA1]  }
0x28: {  	s2 =	sld [smem:$0x3FA2]  }
0x29: {  	s4 =	sld [smem:$0x3FA4]  }
0x2a: {  	p0 =	seq.s32 s5, $0x0;
	s5 =	sld [smem:$0x3FA5]  }
0x2b: {  	s6 =	sld [smem:$0x3FA6]  }
0x2c: {  	s7 =	sld [smem:$0x3FA7]  }
0x2d: {  	s3 =	simm.s32 $0x108;
	s8 =	sld [smem:$0x3FA8]  }
0x2e: {  	s3 =	simm.s32 @!p0 $0x1082;
	s9 =	sld [smem:$0x3FA9]  }
0x2f: {  	lr =	sadd.s32 s0, s3;
	s0 =	sld [smem:$0x3FA0]  }
0x30: {  	s3 =	sld [smem:$0x3FA3]  }
0x31: {  	[smem:$0x3FAC] =	sst s10  }
0x32: {  	s10 =	sld [smem:$0x3FAA];
	_ =	sdelay $0x3  }
0x33: {  	p0 =	seq.s32 s10, $0x1;
	s10 =	sld [smem:$0x3FAC];
	_ =	sdelay $0x3  }
0x34: {  	[smem:$0x3FAC] =	sst s10  }
0x35: {  	s10 =	sld [smem:$0x3FAB];
	_ =	sdelay $0x3  }
0x36: {  	p1 =	seq.s32 s10, $0x1;
	s10 =	sld [smem:$0x3FAC];
	_ =	sdelay $0x3  }
0x37: {  	[smem:$0x3FAC] =	sst s10  }
0x38: {  	s10 =	sld [smem:$0x3FAD]  }
0x39: {  	_ = 	snop;
	(pc) =	sbr.ind lr, $3  }
0x3a: {  	_ = 	snop  }
0x3b: {  	_ = 	snop  }
0x3c: {  	p2 =	seq.s32 s10, $0x1;
	s10 =	sld [smem:$0x3FAC]  }
0x3d: {  	_ =	shalt  }
0x3e: {  	_ =	shalt  }
0x3f: {  	_ =	shalt  }
0x40: {  	_ =	shalt  }
0x41: {  	_ =	shalt  }
0x42: {  	_ =	shalt  }
0x43: {  	_ =	shalt  }
0x44: {  	_ =	shalt  }
0x45: {  	_ =	shalt  }
0x46: {  	_ =	shalt  }
0x47: {  	_ =	shalt  }
0x48: {  	_ =	shalt  }
0x49: {  	_ =	shalt  }
0x4a: {  	_ =	shalt  }
0x4b: {  	_ =	shalt  }
0x4c: {  	_ =	shalt  }
0x4d: {  	_ =	shalt  }
0x4e: {  	_ =	shalt  }
0x4f: {  	_ =	shalt  }
0x50: {  	_ =	shalt  }
0x51: {  	_ =	shalt  }
0x52: {  	_ =	shalt  }
0x53: {  	_ =	shalt  }
0x54: {  	_ =	shalt  }
0x55: {  	_ =	shalt  }
0x56: {  	_ =	shalt  }
0x57: {  	_ =	shalt  }
0x58: {  	_ =	shalt  }
0x59: {  	_ =	shalt  }
0x5a: {  	_ =	shalt  }
0x5b: {  	_ =	shalt  }
0x5c: {  	_ =	shalt  }
0x5d: {  	_ =	shalt  }
0x5e: {  	_ =	shalt  }
0x5f: {  	_ =	shalt  }
0x60: {  	_ =	shalt  }
0x61: {  	_ =	shalt  }
0x62: {  	_ =	shalt  }
0x63: {  	_ =	shalt  }
0x64: {  	_ =	shalt  }
0x65: {  	_ =	shalt  }
0x66: {  	_ =	shalt  }
0x67: {  	_ =	shalt  }
0x68: {  	_ =	shalt  }
0x69: {  	_ =	shalt  }
0x6a: {  	_ =	shalt  }
0x6b: {  	_ =	shalt  }
0x6c: {  	_ =	shalt  }
0x6d: {  	_ =	shalt  }
0x6e: {  	_ =	shalt  }
0x6f: {  	_ =	shalt  }
0x70: {  	_ =	shalt  }
0x71: {  	_ =	shalt  }
0x72: {  	_ =	shalt  }
0x73: {  	_ =	shalt  }
0x74: {  	_ =	shalt  }
0x75: {  	_ =	shalt  }
0x76: {  	_ =	shalt  }
0x77: {  	_ =	shalt  }
0x78: {  	_ =	shalt  }
0x79: {  	_ =	shalt  }
0x7a: {  	_ =	shalt  }
0x7b: {  	_ =	shalt  }
0x7c: {  	_ =	shalt  }
0x7d: {  	_ =	shalt  }
0x7e: {  	_ =	shalt  }
0x7f: {  	_ =	shalt  }
0x80: {  	_ =	shalt  }
0x81: {  	_ =	shalt  }
0x82: {  	_ =	shalt  }
0x83: {  	_ =	shalt  }
0x84: {  	_ =	shalt  }
0x85: {  	_ =	shalt  }
0x86: {  	_ =	shalt  }
0x87: {  	_ =	shalt  }
.Lfunc_end0:
.L_simem_size_0:
called_computation.1_lowered:
.L_overlay_start_0:
0x88: {  	s2 =	sld [smem:$0x3FD9]  }
0x89: {  	s3 =	sld [smem:$0x3FFE];
	_ =	sdelay $0x1  }
0x8a: {  	s1 =	srdreg.scid  }
0x8b: {  	s0 =	sand.u32 $0x1, s1  }
0x8c: {  	s15 =	sshll.u32 s0, $0xA;
	s2 =	sadd.s32 s3, s2  }
0x8d: {  	s2 =	sadd.s32 s2, s15  }
0x8e: {  	[smem:$0x3FB8] =	sst s2  }
0x8f: {  	_ = 	snop  }
0x90: {  	s16 =	sld [smem:$0x3FD0];
	_ =	sdelay $0x2  }
0x91: {  	s4 =	simm.s32 $0xB;
	s5 =	simm.s32 $0x10;
	s2 =	sld [smem:$0x3FC8]  }
0x92: {  	[smem:s5], [sflag:s4] =	dma.local [hbm:s16], $0x1  }
0x93: {  	_ =	swait.eq [sflag:s4], $0x1  }
0x94: {  	[sflag:s4] =	ssyncset.done $0x0  }
0x95: {  	[sflag:s4] =	ssyncadd.s32 $0xFFFFFFFF  }
0x96: {  	s17 =	sld [smem:$0x11];
	(tm) =	ssettm $0x1  }
0x97: {  	s18 =	sld [smem:$0x3FFB];
	_ =	sdelay $0x3  }
0x98: {  	_ =	strace s18  }
0x99: {  	s3 =	sld [smem:$0x3FFC];
	_ =	sdelay $0x3  }
0x9a: {  	_ =	strace s3  }
0x9b: {  	s3 =	sld [smem:$0x3FFD];
	_ =	sdelay $0x3  }
0x9c: {  	_ =	strace s3  }
0x9d: {  	_ =	strace $0x8FFFFFFF  }
0x9e: {  	s19 =	sld [smem:$0x3FDB];
	_ =	sdelay $0x1  }
0x9f: {  	s20 =	simm.s32 $_scs_section_size  }
0xa0: {  	s6 =	simm.s32 $_size__tile_overlayer_lowered;
	s7 =	simm.s32 $_tile_overlayer_lowered  }
0xa1: {  	s8 =	simm.s32 $0x1BFF;
	s21 =	sshll.u32 s7, $0x1;
	s5 =	sadd.s32 s20, s19  }
0xa2: {  	s22 =	simm.s32 $0x0;
	s6 =	sshll.u32 s6, $0x1;
	s7 =	sadd.s32 s21, s5  }
0xa3: {  	[timem:s22], [sflag:s8] =	dma.local [hbm:s7], s6  }
0xa4: {  	_ =	swait.ge [sflag:s8], s6  }
0xa5: {  	s6 =	ssub.s32 $0x0, s6;
	[sflag:s8] =	ssyncset.done $0x0  }
0xa6: {  	[sflag:s8] =	ssyncadd.s32 s6;
	_ =	sdelay $0x1  }
0xa7: {  	s23 =	simm.s32 $0x1B8B  }
0xa8: {  	_ =	swait.ge [sflag:s23], $0x1  }
0xa9: {  	[sflag:s23] =	ssyncset.done $0x0  }
0xaa: {  	[sflag:s23] =	ssyncadd.s32 $0xFFFFFFFF  }
0xab: {  	s6 =	sld [smem:$0x0]  }
0xac: {  	s7 =	sand.u32 $0xFFFFFFFE, s1  }
0xad: {  	p0 =	sne.s32 s1, s7  }
0xae: {  	s7 =	sshll.u32 @p0 s7, $0xE  }
0xaf: {  	s7 =	sadd.s32 @p0 $0x11B8D, s7;
	s8 =	sshll.u32 @p0 s6, $0x11  }
0xb0: {  	s7 =	sor.u32 @p0 s8, s7  }
0xb1: {  	[sflag:s7] =	ssyncadd.remote.s32 @p0 $0x1;
	_ =	sdelay $0x1  }
0xb2: {  	s7 =	simm.s32 @p0 $0x1B8D  }
0xb3: {  	_ =	swait.eq @p0 [sflag:s7], $0x1  }
0xb4: {  	[sflag:s7] =	ssyncadd.s32 @p0 $0xFFFFFFFF  }
0xb5: {  	s8 =	sshll.u32 @!p0 s1, $0xE  }
0xb6: {  	s8 =	sor.u32 @!p0 $0x4000, s8;
	s7 =	simm.s32 @!p0 $0x1B8D  }
0xb7: {  	s6 =	sshll.u32 @!p0 s6, $0x11;
	s8 =	sadd.s32 @!p0 $0x11B8D, s8;
	_ =	swait.eq @!p0 [sflag:s7], $0x1  }
0xb8: {  	s6 =	sor.u32 @!p0 s6, s8;
	[sflag:s7] =	ssyncadd.s32 @!p0 $0xFFFFFFFF  }
0xb9: {  	s25 =	simm.s32 $0x1B8E;
	s24 =	sld [smem:$0x3FFE];
	[sflag:s6] =	ssyncadd.remote.s32 @!p0 $0x1  }
0xba: {  	s26 =	simm.s32 $execute0_lowered;
	[smem:$0x3FD2] =	sst s25  }
0xbb: {  	s7 =	sshll.u32 s26, $0x1;
	_ =	strace $0x80000049;
	[dreg:$0x1] =	wrdreg $0xFFFFFFFF  }
0xbc: {  	s28 =	simm.s32 $_size_execute0_lowered;
	s5 =	sadd.s32 s5, s7;
	[dreg:$0x0] =	wrdreg $0x0  }
0xbd: {  	s7 =	sshll.u32 s28, $0x1;
	[dreg:$0x2] =	wrdreg s5  }
0xbe: {  	[dreg:$0x3] =	wrdreg s7  }
0xbf: {  	[dreg:$0x4] =	wrdreg $0xC0  }
0xc0: {  	_ =	task [dreg:s22], $0x5FFFF  }
0xc1: {  	[dreg:$0x1] =	wrdreg $0xFFFFFFFF  }
0xc2: {  	[dreg:$0x0] =	wrdreg $0x60  }
0xc3: {  	[dreg:$0x2] =	wrdreg s2  }
0xc4: {  	[dreg:$0x3] =	wrdreg s17  }
0xc5: {  	[dreg:$0x4] =	wrdreg s24  }
0xc6: {  	[dreg:$0x5] =	wrdreg $0xA  }
0xc7: {  	_ =	task.clear_ibuf [dreg:s22], $0x6FFFF;
	_ =	strace $0x90000049  }
0xc8: {  	s29 =	simm.s32 $0xA;
	_ =	strace $0x8000004B  }
0xc9: {  	_ =	swait.ge [sflag:s29], $0x1  }
0xca: {  	[sflag:s29] =	ssyncadd.s32 $0xFFFFFFFF  }
0xcb: {  	_ =	strace $0x9000004B  }
0xcc: {  	_ =	sfence  }
0xcd: {  	s30 =	sld [smem:$0x0];
	_ =	sdelay $0x2  }
0xce: {  	s31 =	sshll.u32 s1, $0xD;
	s1 =	sshrl.u32 s1, $0x2  }
0xcf: {  	s4 =	sand.u32 $0x4000, s31;
	s1 =	sadd.s32 s1, s30  }
0xd0: {  	s0 =	sor.u32 s4, s0;
	s1 =	sshll.u32 s1, $0x11  }
0xd1: {  	s0 =	sor.u32 s1, s0  }
0xd2: {  	s0 =	sadd.s32 $0x8F2B, s0  }
0xd3: {  	[sflag:s0] =	ssyncadd.remote.s32 $0x1  }
0xd4: {  	_ =	sfence.sel $0xFFFF  }
0xd5: {  	[dreg:$0x0] =	wrdreg $0xFFFFFFFF;
	(pc) =	sbr.abs _section_cstart, $3  }
0xd6: {  	[dreg:$0x1] =	wrdreg $0xFFFFFFFF  }
0xd7: {  	_ =	task.clear_ibuf [dreg:s22], $0x2FFFF;
	_ =	strace $0x9FFFFFFF  }
0xd8: {  	(tm) =	ssettm $0x7FFFFFFF  }
0xd9: {  	_ =	shalt  }
tec
execute0_lowered:
.L_overlay_start_1:
0x0: {  	(tag) =	ssettag $0x1  }
0x1: {  	s2 =	rddreg [dreg:$0x0]  }
0x2: {  	s3 =	rddreg [dreg:$0x1]  }
0x3: {  	s7 =	rddreg [dreg:$0x2]  }
0x4: {  	s0 =	rddreg [dreg:$0x3];
	s1 =	srdreg.scid;
	_ =	strace $0x8000004A  }
0x5: {  	s4 =	simm.s32 $0x1;
	s9 =	simm.s32 $0x3;
	s5 =	sshll.u32 s1, $0x4  }
.Ltmp0:
0x6: {  	s1 =	stileid.u32;
	s5 =	sand.u32 $0x10, s5;
	(pc) =	sbr.rel .LBB2_1-.Ltmp0, $4  }
0x7: {  	s11 =	simm.s32 $0x0;
	p0 =	por $0x0, $0x0;
	s6 =	sor.u32 s1, s5  }
0x8: {  	[sflag:s4] =	ssyncpa.u1 $0x0;
	s5 =	simm.s32 $0x2;
	s6 =	sshll.u32 s6, $0xB  }
0x9: {  	s7 =	sadd.s32 $0x1C4A00, s7;
	[sflag:s5] =	ssyncpa.u1 $0x0;
	s8 =	sadd.s32 $0x800, s6  }
0xa: {  	vm0 =	vmmov $0xff;
	vm1 =	vcmask $0x3F20;
	[sflag:s9] =	ssyncpa.u1 $0x0;
	s10 =	smov.u32 s6;
	s9 =	simm.s32 $0x0  }
.LBB2_7:
0xb: {  	p1 =	slt.u32 s9, $0x2;
	s11 =	sadd.s32 $0x100, s10  }
0xc: {  	s13 =	smov.u32 s6;
	s9 =	sadd.s32 $0x1, s9;
	p2 =	slt.s32 s11, s8  }
0xd: {  	s13 =	smov.u32 @p2 s11;
	p2 =	sne.s32 s9, $0xA  }
.Ltmp1:
0xe: {  	_ = 	snop;
	(pc) =	sbr.rel @!p2 .LBB2_8-.Ltmp1, $4  }
0xf: {  	s12 =	simm.s32 @!p1 $0x3  }
0x10: {  	_ =	swait.ge @!p1 [sflag:s12], $0x8000  }
0x11: {  	p0 =	por !p0, !p0;
	[sflag:s12] =	ssyncset.done @!p1 $0x0  }
0x12: {  	s11 =	smov.u32 s10;
	s10 =	smov.u32 s13;
	[sflag:s12] =	ssyncadd.s32 @!p1 $0xFFFF8000  }
.LBB2_1:
0x13: {  	p1 =	sgt.u32 s9, $0x7  }
0x14: {  	s12 =	sxor.u32 @!p1 $0xFFFFFFFF, s9  }
0x15: {  	s13 =	sshrl.u32 @!p1 s10, $0x3;
	s12 =	sshll.u32 @!p1 s12, $0x8  }
0x16: {  	s14 =	sand.u32 @!p1 $0x7, s10;
	s13 =	sadd.s32 @!p1 s3, s13;
	s12 =	sand.u32 @!p1 $0x100, s12  }
0x17: {  	[tilespmem:s12], [sflag:$0x2] =	stream.linear.gather @!p1 [hbm4b:s13+s14], $0x100, $0x38;
	[tilespmem:$0x10200] =	vst v63  }
0x18: {  	p1 =	seq.s32 s9, $0x0  }
0x19: {  	p2 =	seq.s32 @!p1 s9, $0x9  }
0x1a: {  	p1 =	por p1, p2  }
.Ltmp2:
0x1b: {  	_ = 	snop;
	(pc) =	sbr.rel @p1 .LBB2_7-.Ltmp2, $1  }
0x1c: {  	_ =	sdelay $0x3  }
0x1d: {  	s12 =	simm.s32 $0x1  }
0x1e: {  	_ =	swait.ge [sflag:s5], $0x100;
	s12 =	simm.s32 @!p0 $0x0  }
0x1f: {  	[sflag:s5] =	ssyncset.done $0x0;
	s14 =	sshll.u32 s12, $0x8  }
0x20: {  	[sflag:s5] =	ssyncadd.s32 $0xFFFFFF00;
	s13 =	sadd.s32 $0x0, s14  }
0x21: {  	v0 =	vld.msk [tilespmem:s13+$0x0 ss:$0x1], $0xffff;
	_ =	sdelay $0x4  }
0x22: {  	vm2 =	vgt.s32 v0, $0x0  }
0x23: {  	v0 =	vnsel vm2, $0x0, v0  }
0x24: {  	v0 =	vmin.u32 v0, $0xC34F  }
0x25: {  	v0 =	vshll.u32 v0, $0x4;
	_ =	sdelay $0x2  }
0x26: {  	s12 =	sshll.u32 s12, $0xF  }
0x27: {  	s12 =	sor.u32 $0x200, s12  }
0x28: {  	[tilespmem:s12], [sflag:$0x1] =	stream.indirect_vreg.gather [hbm:s2], $0x80, v0, vm0, $0x38;
	[tilespmem:$0x10200] =	vst v63  }
0x29: {  	s15 =	sadd.s32 $0x10, s14;
	s13 =	sadd.s32 $0x400, s12  }
0x2a: {  	[tilespmem:s13], [sflag:$0x1] =	stream.indirect_vreg.gather [hbm:s2], $0x80, v0, vm1, $0x38;
	[tilespmem:$0x10200] =	vst v63  }
0x2b: {  	s16 =	simm.s32 $0x80;
	v0 =	vld.msk [tilespmem:s15+$0x0 ss:$0x1], $0xffff;
	s15 =	smov.u32 s12  }
.LBB2_3:
0x2c: {  	p1 =	sne.s32 s16, $0x3C0;
	_ =	sdelay $0x4  }
0x2d: {  	vm2 =	vgt.s32 v0, $0x0  }
0x2e: {  	v0 =	vnsel vm2, $0x0, v0  }
0x2f: {  	v0 =	vmin.u32 v0, $0xC34F  }
0x30: {  	v0 =	vshll.u32 v0, $0x4;
	_ =	sdelay $0x3  }
.Ltmp3:
0x31: {  	s17 =	sshra.s32 s16, $0x2;
	s15 =	sadd.s32 $0x800, s15;
	(pc) =	sbr.rel @p1 .LBB2_3-.Ltmp3, $4  }
0x32: {  	[tilespmem:s15], [sflag:$0x1] =	stream.indirect_vreg.gather [hbm:s2], $0x80, v0, vm0, $0x38;
	[tilespmem:$0x10200] =	vst v63  }
0x33: {  	s17 =	sadd.s32 s17, s14;
	s18 =	sadd.s32 $0x400, s15  }
0x34: {  	[tilespmem:s18], [sflag:$0x1] =	stream.indirect_vreg.gather [hbm:s2], $0x80, v0, vm1, $0x38;
	[tilespmem:$0x10200] =	vst v63  }
0x35: {  	s16 =	sadd.s32 $0x40, s16;
	v0 =	vld.msk [tilespmem:s17+$0x0 ss:$0x1], $0xffff  }
0x36: {  	_ =	sdelay $0x3  }
0x37: {  	vm2 =	vgt.s32 v0, $0x0  }
0x38: {  	v0 =	vnsel vm2, $0x0, v0  }
0x39: {  	v0 =	vmin.u32 v0, $0xC34F  }
0x3a: {  	v0 =	vshll.u32 v0, $0x4;
	_ =	sdelay $0x3  }
0x3b: {  	s14 =	sadd.s32 $0x800, s15  }
0x3c: {  	[tilespmem:s14], [sflag:$0x1] =	stream.indirect_vreg.gather [hbm:s2], $0x80, v0, vm0, $0x38;
	[tilespmem:$0x10200] =	vst v63  }
0x3d: {  	s14 =	sadd.s32 $0x400, s14  }
0x3e: {  	[tilespmem:s14], [sflag:$0x1] =	stream.indirect_vreg.gather [hbm:s2], $0x80, v0, vm1, $0x38;
	[tilespmem:$0x10200] =	vst v63  }
0x3f: {  	s11 =	sshll.u32 s11, $0x4;
	_ =	swait.ge [sflag:s4], $0x8000  }
0x40: {  	s11 =	sadd.s32 s11, s7;
	[sflag:s4] =	ssyncset.done $0x0  }
0x41: {  	s15 =	sadd.s32 $0x0, s11;
	s14 =	simm.s32 $0x80;
	[sflag:s4] =	ssyncadd.s32 $0xFFFF8000  }
.LBB2_5:
0x42: {  	[hbm:s15] =	stream.linear.scatter [tilespmem:s12], [sflag:$0x3], $0x400, $0x38;
	[tilespmem:$0x10200] =	vst v63  }
0x43: {  	s15 =	smov.u32 s14;
	s12 =	smov.u32 s13;
	p1 =	sne.s32 s14, $0xF80  }
.Ltmp4:
0x44: {  	s14 =	sadd.s32 $0x80, s14;
	(pc) =	sbr.rel @p1 .LBB2_5-.Ltmp4, $2  }
0x45: {  	_ =	sdelay $0x2  }
0x46: {  	s13 =	sadd.s32 $0x400, s13;
	s15 =	sadd.s32 s15, s11  }
.Ltmp5:
0x47: {  	(pc) =	sbr.rel .LBB2_7-.Ltmp5, $2  }
0x48: {  	_ =	sdelay $0x2  }
0x49: {  	[hbm:s15] =	stream.linear.scatter [tilespmem:s12], [sflag:$0x3], $0x400, $0x38;
	[tilespmem:$0x10200] =	vst v63  }
.LBB2_8:
0x4a: {  	_ =	sfence.sel $0x180000  }
0x4b: {  	s2 =	simm.s32 $0x2;
	[bflag:$0x0] =	sbarrier.arrive $0xFFFF  }
0x4c: {  	s30 =	simm.s32 $0x3;
	[sflag:s2] =	ssyncpa.u1 $0x1  }
0x4d: {  	s31 =	simm.s32 $0x1;
	[sflag:s30] =	ssyncpa.u1 $0x1  }
0x4e: {  	[sflag:s31] =	ssyncpa.u1 $0x1  }
0x4f: {  	p0 =	sne.s32 s1, $0x0;
	_ =	strace $0x9000004A  }
0x50: {  	s0 =	sadd.s32 @!p0 $0x100000, s0;
	[bflag:$0x2] =	sbarrier.arrive $0xFFFF  }
0x51: {  	[sflag:s0] =	ssyncadd.tile.s32 @!p0 $0x1;
	_ =	shalt  }
.Lfunc_end2:
_tile_overlayer_lowered:
.L_overlay_start_2:
0x52: {  	(tag) =	ssettag $0x2  }
0x53: {  	s0 =	rddreg [dreg:$0x0];
	s2 =	stileid.u32  }
0x54: {  	s1 =	rddreg [dreg:$0x1];
	p0 =	sne.s32 s2, $0x0  }
0x55: {  	s3 =	rddreg [dreg:$0x2];
	[bflag:$0x3] =	sbarrier.arrive $0xFFFF;
	s2 =	simm.s32 @!p0 $0x1C01  }
0x56: {  	[timem:s3], [sflag:s2] =	dma.local @!p0 [hbm:s0], s1  }
0x57: {  	s0 =	simm.s32 @!p0 $0x1  }
0x58: {  	_ =	swait.ge @!p0 [sflag:s0], s1  }
0x59: {  	s1 =	ssub.s32 @!p0 $0x0, s1;
	[sflag:s0] =	ssyncset.done @!p0 $0x0  }
0x5a: {  	[sflag:s0] =	ssyncadd.s32 @!p0 s1  }
0x5b: {  	[bflag:$0x3] =	sbarrier.arrive $0xFFFF  }
0x5c: {  	_ =	shalt  }

// kernel: gather_offload_async_start
scs
__scs_entry_jumppad:
0x0: {  	(pc) =	sbr.rel $0x88, $3  }
0x1: {  	(tag) =	ssettag $0x0;
	lr =	simm.s32 $0x1  }
0x2: {  	[smem:$0x3F91] =	sst lr;
	_ =	strace $0xD0000000  }
0x3: {  	_ = 	snop  }
0x4: {  	_ = 	snop  }
0x5: {  	_ = 	snop  }
0x6: {  	_ = 	snop  }
0x7: {  	_ = 	snop  }
__scs_overlays_trampoline_lowered:
0x8: {  	[smem:$0x3FA0] =	sst s0  }
0x9: {  	[smem:$0x3FA1] =	sst s1  }
0xa: {  	[smem:$0x3FA2] =	sst s2  }
0xb: {  	[smem:$0x3FA3] =	sst s3  }
0xc: {  	[smem:$0x3FA4] =	sst s4  }
0xd: {  	[smem:$0x3FA5] =	sst s5  }
0xe: {  	[smem:$0x3FA6] =	sst s6  }
0xf: {  	[smem:$0x3FA7] =	sst s7  }
0x10: {  	[smem:$0x3FA8] =	sst s8  }
0x11: {  	[smem:$0x3FA9] =	sst s9;
	s0 =	simm.s32 @!p0 $0x0  }
0x12: {  	s1 =	sld [smem:$0x3F8F];
	s0 =	simm.s32 @p0 $0x1  }
0x13: {  	[smem:$0x3FAA] =	sst s0;
	s0 =	simm.s32 @!p1 $0x0  }
0x14: {  	s2 =	sld [smem:$0x3F8E];
	s0 =	simm.s32 @p1 $0x1  }
0x15: {  	[smem:$0x3FAB] =	sst s0;
	s0 =	simm.s32 @!p2 $0x0  }
0x16: {  	s3 =	sld [smem:$0x3FDB];
	s0 =	simm.s32 @p2 $0x1  }
0x17: {  	s4 =	simm.s32 $0x1BF5;
	[smem:$0x3FAD] =	sst s0  }
0x18: {  	s0 =	sld [smem:$0x3F90];
	_ =	swait.ge [sflag:s4], $0x0  }
0x19: {  	s7 =	sld [smem:$0x3F91]  }
0x1a: {  	s8 =	sadd.s32 $0xFFFFE003, lr  }
0x1b: {  	s9 =	sadd.s32 $0xFFFFFEF7, lr;
	s5 =	simm.s32 $0xFFFFFFFF;
	p2 =	slt.u32 s8, $0xFFFFF086  }
0x1c: {  	p1 =	slt.u32 s9, $0xF7A;
	s5 =	simm.s32 @!p2 $0x0  }
0x1d: {  	s5 =	simm.s32 @p1 $0x1;
	p0 =	seq.s32 s7, s2  }
0x1e: {  	s7 =	smul.u32 @!p0 $0xF7A, s2;
	p2 =	seq.s32 @!p0 s5, $0x0  }
0x1f: {  	s9 =	smul.u32 $0xF7A, s1;
	s8 =	simm.s32 @!p0 $0x1BF5;
	p2 =	por !p2, p0  }
0x20: {  	[sflag:s8] =	ssyncset.s32 @!p0 $0xFFFFF086;
	s6 =	sadd.s32 @!p0 s3, s7;
	s7 =	simm.s32 @!p0 $0x108  }
0x21: {  	s3 =	sadd.s32 s3, s9;
	s6 =	sadd.s32 @!p0 $0x88, s6;
	s7 =	simm.s32 @p2 $0x1082  }
0x22: {  	[simem:s7], [sflag:s8] =	dma.local @!p0 [hbm:s6], $0xF7A  }
0x23: {  	s9 =	sor.u32 $0xD0000000, s2;
	s6 =	simm.s32 $0x108;
	_ =	swait.ge @!p0 [sflag:s8], $0x0  }
0x24: {  	s3 =	sadd.s32 $0x88, s3;
	s6 =	simm.s32 @!p1 $0x1082;
	[sflag:s4] =	ssyncset.s32 $0xFFFFF086  }
0x25: {  	[simem:s6], [sflag:s4] =	dma.local [hbm:s3], $0xF7A  }
0x26: {  	[smem:$0x3F91] =	sst s1;
	(tag) =	ssettag s2;
	_ =	strace s9  }
0x27: {  	s1 =	sld [smem:$0x3FA1]  }
0x28: {  	s2 =	sld [smem:$0x3FA2]  }
0x29: {  	s4 =	sld [smem:$0x3FA4]  }
0x2a: {  	p0 =	seq.s32 s5, $0x0;
	s5 =	sld [smem:$0x3FA5]  }
0x2b: {  	s6 =	sld [smem:$0x3FA6]  }
0x2c: {  	s7 =	sld [smem:$0x3FA7]  }
0x2d: {  	s3 =	simm.s32 $0x108;
	s8 =	sld [smem:$0x3FA8]  }
0x2e: {  	s3 =	simm.s32 @!p0 $0x1082;
	s9 =	sld [smem:$0x3FA9]  }
0x2f: {  	lr =	sadd.s32 s0, s3;
	s0 =	sld [smem:$0x3FA0]  }
0x30: {  	s3 =	sld [smem:$0x3FA3]  }
0x31: {  	[smem:$0x3FAC] =	sst s10  }
0x32: {  	s10 =	sld [smem:$0x3FAA];
	_ =	sdelay $0x3  }
0x33: {  	p0 =	seq.s32 s10, $0x1;
	s10 =	sld [smem:$0x3FAC];
	_ =	sdelay $0x3  }
0x34: {  	[smem:$0x3FAC] =	sst s10  }
0x35: {  	s10 =	sld [smem:$0x3FAB];
	_ =	sdelay $0x3  }
0x36: {  	p1 =	seq.s32 s10, $0x1;
	s10 =	sld [smem:$0x3FAC];
	_ =	sdelay $0x3  }
0x37: {  	[smem:$0x3FAC] =	sst s10  }
0x38: {  	s10 =	sld [smem:$0x3FAD]  }
0x39: {  	_ = 	snop;
	(pc) =	sbr.ind lr, $3  }
0x3a: {  	_ = 	snop  }
0x3b: {  	_ = 	snop  }
0x3c: {  	p2 =	seq.s32 s10, $0x1;
	s10 =	sld [smem:$0x3FAC]  }
0x3d: {  	_ =	shalt  }
0x3e: {  	_ =	shalt  }
0x3f: {  	_ =	shalt  }
0x40: {  	_ =	shalt  }
0x41: {  	_ =	shalt  }
0x42: {  	_ =	shalt  }
0x43: {  	_ =	shalt  }
0x44: {  	_ =	shalt  }
0x45: {  	_ =	shalt  }
0x46: {  	_ =	shalt  }
0x47: {  	_ =	shalt  }
0x48: {  	_ =	shalt  }
0x49: {  	_ =	shalt  }
0x4a: {  	_ =	shalt  }
0x4b: {  	_ =	shalt  }
0x4c: {  	_ =	shalt  }
0x4d: {  	_ =	shalt  }
0x4e: {  	_ =	shalt  }
0x4f: {  	_ =	shalt  }
0x50: {  	_ =	shalt  }
0x51: {  	_ =	shalt  }
0x52: {  	_ =	shalt  }
0x53: {  	_ =	shalt  }
0x54: {  	_ =	shalt  }
0x55: {  	_ =	shalt  }
0x56: {  	_ =	shalt  }
0x57: {  	_ =	shalt  }
0x58: {  	_ =	shalt  }
0x59: {  	_ =	shalt  }
0x5a: {  	_ =	shalt  }
0x5b: {  	_ =	shalt  }
0x5c: {  	_ =	shalt  }
0x5d: {  	_ =	shalt  }
0x5e: {  	_ =	shalt  }
0x5f: {  	_ =	shalt  }
0x60: {  	_ =	shalt  }
0x61: {  	_ =	shalt  }
0x62: {  	_ =	shalt  }
0x63: {  	_ =	shalt  }
0x64: {  	_ =	shalt  }
0x65: {  	_ =	shalt  }
0x66: {  	_ =	shalt  }
0x67: {  	_ =	shalt  }
0x68: {  	_ =	shalt  }
0x69: {  	_ =	shalt  }
0x6a: {  	_ =	shalt  }
0x6b: {  	_ =	shalt  }
0x6c: {  	_ =	shalt  }
0x6d: {  	_ =	shalt  }
0x6e: {  	_ =	shalt  }
0x6f: {  	_ =	shalt  }
0x70: {  	_ =	shalt  }
0x71: {  	_ =	shalt  }
0x72: {  	_ =	shalt  }
0x73: {  	_ =	shalt  }
0x74: {  	_ =	shalt  }
0x75: {  	_ =	shalt  }
0x76: {  	_ =	shalt  }
0x77: {  	_ =	shalt  }
0x78: {  	_ =	shalt  }
0x79: {  	_ =	shalt  }
0x7a: {  	_ =	shalt  }
0x7b: {  	_ =	shalt  }
0x7c: {  	_ =	shalt  }
0x7d: {  	_ =	shalt  }
0x7e: {  	_ =	shalt  }
0x7f: {  	_ =	shalt  }
0x80: {  	_ =	shalt  }
0x81: {  	_ =	shalt  }
0x82: {  	_ =	shalt  }
0x83: {  	_ =	shalt  }
0x84: {  	_ =	shalt  }
0x85: {  	_ =	shalt  }
0x86: {  	_ =	shalt  }
0x87: {  	_ =	shalt  }
.Lfunc_end0:
.L_simem_size_0:
called_computation_lowered:
.L_overlay_start_0:
0x88: {  	s2 =	sld [smem:$0x3FD9]  }
0x89: {  	s3 =	sld [smem:$0x3FFE];
	_ =	sdelay $0x1  }
0x8a: {  	s1 =	srdreg.scid  }
0x8b: {  	s0 =	sand.u32 $0x1, s1  }
0x8c: {  	s14 =	sshll.u32 s0, $0xA;
	s2 =	sadd.s32 s3, s2  }
0x8d: {  	s2 =	sadd.s32 s2, s14  }
0x8e: {  	[smem:$0x3FB8] =	sst s2  }
0x8f: {  	_ = 	snop  }
0x90: {  	s2 =	sld [smem:$0x3FD0];
	_ =	sdelay $0x2  }
0x91: {  	s15 =	simm.s32 $0xB;
	s4 =	simm.s32 $0x10  }
0x92: {  	[smem:s4], [sflag:s15] =	dma.local [hbm:s2], $0x1  }
0x93: {  	_ =	swait.eq [sflag:s15], $0x1  }
0x94: {  	[sflag:s15] =	ssyncset.done $0x0  }
0x95: {  	[sflag:s15] =	ssyncadd.s32 $0xFFFFFFFF  }
0x96: {  	s16 =	sld [smem:$0x11];
	(tm) =	ssettm $0x1  }
0x97: {  	s17 =	sld [smem:$0x3FFB];
	_ =	sdelay $0x3  }
0x98: {  	_ =	strace s17  }
0x99: {  	s3 =	sld [smem:$0x3FFC];
	_ =	sdelay $0x3  }
0x9a: {  	_ =	strace s3  }
0x9b: {  	s3 =	sld [smem:$0x3FFD];
	_ =	sdelay $0x3  }
0x9c: {  	_ =	strace s3  }
0x9d: {  	_ =	strace $0x8FFFFFFF  }
0x9e: {  	s18 =	sld [smem:$0x3FDB];
	_ =	sdelay $0x1  }
0x9f: {  	s19 =	simm.s32 $_scs_section_size  }
0xa0: {  	s5 =	simm.s32 $_size__tile_overlayer_lowered;
	s6 =	simm.s32 $_tile_overlayer_lowered  }
0xa1: {  	s22 =	simm.s32 $0x1BFF;
	s21 =	sshll.u32 s6, $0x1;
	s3 =	sadd.s32 s19, s18  }
0xa2: {  	s7 =	simm.s32 $0x0;
	s20 =	sshll.u32 s5, $0x1;
	s5 =	sadd.s32 s21, s3  }
0xa3: {  	[timem:s7], [sflag:s22] =	dma.local [hbm:s5], s20  }
0xa4: {  	_ =	swait.ge [sflag:s22], s20  }
0xa5: {  	s4 =	ssub.s32 $0x0, s20;
	[sflag:s22] =	ssyncset.done $0x0  }
0xa6: {  	[sflag:s22] =	ssyncadd.s32 s4;
	_ =	sdelay $0x1  }
0xa7: {  	s23 =	simm.s32 $0x1B8B  }
0xa8: {  	_ =	swait.ge [sflag:s23], $0x1  }
0xa9: {  	[sflag:s23] =	ssyncset.done $0x0  }
0xaa: {  	s25 =	simm.s32 $0x1B8E;
	s24 =	sld [smem:$0x3FFE];
	[sflag:s23] =	ssyncadd.s32 $0xFFFFFFFF  }
0xab: {  	s26 =	simm.s32 $execute0_lowered;
	[smem:$0x3FD2] =	sst s25  }
0xac: {  	s5 =	sshll.u32 s26, $0x1;
	_ =	strace $0x80000046;
	[dreg:$0x1] =	wrdreg $0xFFFFFFFF  }
0xad: {  	s28 =	simm.s32 $_size_execute0_lowered;
	s3 =	sadd.s32 s3, s5;
	[dreg:$0x0] =	wrdreg $0x0  }
0xae: {  	s5 =	sshll.u32 s28, $0x1;
	[dreg:$0x2] =	wrdreg s3  }
0xaf: {  	[dreg:$0x3] =	wrdreg s5  }
0xb0: {  	[dreg:$0x4] =	wrdreg $0xC0  }
0xb1: {  	_ =	task [dreg:s7], $0x5FFFF  }
0xb2: {  	[dreg:$0x1] =	wrdreg $0xFFFFFFFF  }
0xb3: {  	[dreg:$0x0] =	wrdreg $0x60  }
0xb4: {  	[dreg:$0x2] =	wrdreg s24  }
0xb5: {  	[dreg:$0x3] =	wrdreg s16  }
0xb6: {  	[dreg:$0x4] =	wrdreg $0x9  }
0xb7: {  	_ =	task.clear_ibuf [dreg:s7], $0x5FFFF;
	_ =	strace $0x90000046  }
0xb8: {  	s29 =	simm.s32 $0x9;
	_ =	strace $0x80000048  }
0xb9: {  	_ =	swait.ge [sflag:s29], $0x1  }
0xba: {  	[sflag:s29] =	ssyncadd.s32 $0xFFFFFFFF  }
0xbb: {  	_ =	strace $0x90000048  }
0xbc: {  	_ =	sfence  }
0xbd: {  	s30 =	sld [smem:$0x0];
	_ =	sdelay $0x2  }
0xbe: {  	s31 =	sshll.u32 s1, $0xD;
	s1 =	sshrl.u32 s1, $0x2  }
0xbf: {  	s3 =	sand.u32 $0x4000, s31;
	s1 =	sadd.s32 s1, s30  }
0xc0: {  	s0 =	sor.u32 s3, s0;
	s1 =	sshll.u32 s1, $0x11  }
0xc1: {  	s0 =	sor.u32 s1, s0  }
0xc2: {  	s0 =	sadd.s32 $0x8F2B, s0  }
0xc3: {  	[sflag:s0] =	ssyncadd.remote.s32 $0x1  }
0xc4: {  	_ =	sfence.sel $0xFFFF  }
0xc5: {  	[dreg:$0x0] =	wrdreg $0xFFFFFFFF;
	(pc) =	sbr.abs _section_cstart, $3  }
0xc6: {  	[dreg:$0x1] =	wrdreg $0xFFFFFFFF  }
0xc7: {  	_ =	task.clear_ibuf [dreg:s7], $0x2FFFF;
	_ =	strace $0x9FFFFFFF  }
0xc8: {  	(tm) =	ssettm $0x7FFFFFFF  }
0xc9: {  	_ =	shalt  }
tec
execute0_lowered:
.L_overlay_start_1:
0x0: {  	(tag) =	ssettag $0x1  }
0x1: {  	s7 =	rddreg [dreg:$0x0]  }
0x2: {  	s2 =	rddreg [dreg:$0x1]  }
0x3: {  	s0 =	rddreg [dreg:$0x2]  }
0x4: {  	s1 =	srdreg.scid;
	_ =	strace $0x80000047;
	s4 =	simm.s32 $0x1  }
0x5: {  	s9 =	simm.s32 $0x3;
	s11 =	simm.s32 $0x0;
	s5 =	sshll.u32 s1, $0x4  }
.Ltmp0:
0x6: {  	s1 =	stileid.u32;
	s5 =	sand.u32 $0x10, s5;
	(pc) =	sbr.rel .LBB2_1-.Ltmp0, $4  }
0x7: {  	p0 =	por $0x0, $0x0;
	s3 =	sadd.s32 $0x1000, s7;
	s6 =	sor.u32 s1, s5  }
0x8: {  	[sflag:s4] =	ssyncpa.u1 $0x0;
	s5 =	simm.s32 $0x2;
	s6 =	sshll.u32 s6, $0xB  }
0x9: {  	s7 =	sadd.s32 $0xC4A00, s7;
	[sflag:s5] =	ssyncpa.u1 $0x0;
	s8 =	sadd.s32 $0x800, s6  }
0xa: {  	vm0 =	vmmov $0xff;
	vm1 =	vcmask $0x3F20;
	[sflag:s9] =	ssyncpa.u1 $0x0;
	s10 =	smov.u32 s6;
	s9 =	simm.s32 $0x0  }
.LBB2_7:
0xb: {  	p1 =	slt.u32 s9, $0x2;
	s11 =	sadd.s32 $0x100, s10  }
0xc: {  	s13 =	smov.u32 s6;
	s9 =	sadd.s32 $0x1, s9;
	p2 =	slt.s32 s11, s8  }
0xd: {  	s13 =	smov.u32 @p2 s11;
	p2 =	sne.s32 s9, $0xA  }
.Ltmp1:
0xe: {  	_ = 	snop;
	(pc) =	sbr.rel @!p2 .LBB2_8-.Ltmp1, $4  }
0xf: {  	s12 =	simm.s32 @!p1 $0x3  }
0x10: {  	_ =	swait.ge @!p1 [sflag:s12], $0x8000  }
0x11: {  	p0 =	por !p0, !p0;
	[sflag:s12] =	ssyncset.done @!p1 $0x0  }
0x12: {  	s11 =	smov.u32 s10;
	s10 =	smov.u32 s13;
	[sflag:s12] =	ssyncadd.s32 @!p1 $0xFFFF8000  }
.LBB2_1:
0x13: {  	p1 =	sgt.u32 s9, $0x7  }
0x14: {  	s12 =	sxor.u32 @!p1 $0xFFFFFFFF, s9  }
0x15: {  	s13 =	sshrl.u32 @!p1 s10, $0x3;
	s12 =	sshll.u32 @!p1 s12, $0x8  }
0x16: {  	s14 =	sand.u32 @!p1 $0x7, s10;
	s13 =	sadd.s32 @!p1 s2, s13;
	s12 =	sand.u32 @!p1 $0x100, s12  }
0x17: {  	[tilespmem:s12], [sflag:$0x2] =	stream.linear.gather @!p1 [hbm4b:s13+s14], $0x100, $0x38;
	[tilespmem:$0x10200] =	vst v63  }
0x18: {  	p1 =	seq.s32 s9, $0x0  }
0x19: {  	p2 =	seq.s32 @!p1 s9, $0x9  }
0x1a: {  	p1 =	por p1, p2  }
.Ltmp2:
0x1b: {  	_ = 	snop;
	(pc) =	sbr.rel @p1 .LBB2_7-.Ltmp2, $1  }
0x1c: {  	_ =	sdelay $0x3  }
0x1d: {  	s12 =	simm.s32 $0x1  }
0x1e: {  	_ =	swait.ge [sflag:s5], $0x100;
	s12 =	simm.s32 @!p0 $0x0  }
0x1f: {  	[sflag:s5] =	ssyncset.done $0x0;
	s14 =	sshll.u32 s12, $0x8  }
0x20: {  	[sflag:s5] =	ssyncadd.s32 $0xFFFFFF00;
	s13 =	sadd.s32 $0x0, s14  }
0x21: {  	v0 =	vld.msk [tilespmem:s13+$0x0 ss:$0x1], $0xffff;
	_ =	sdelay $0x4  }
0x22: {  	vm2 =	vgt.s32 v0, $0x0  }
0x23: {  	v0 =	vnsel vm2, $0x0, v0  }
0x24: {  	v0 =	vmin.u32 v0, $0xC34F  }
0x25: {  	v0 =	vshll.u32 v0, $0x4;
	_ =	sdelay $0x2  }
0x26: {  	s12 =	sshll.u32 s12, $0xF  }
0x27: {  	s12 =	sor.u32 $0x200, s12  }
0x28: {  	[tilespmem:s12], [sflag:$0x1] =	stream.indirect_vreg.gather [hbm:s3], $0x80, v0, vm0, $0x38;
	[tilespmem:$0x10200] =	vst v63  }
0x29: {  	s15 =	sadd.s32 $0x10, s14;
	s13 =	sadd.s32 $0x400, s12  }
0x2a: {  	[tilespmem:s13], [sflag:$0x1] =	stream.indirect_vreg.gather [hbm:s3], $0x80, v0, vm1, $0x38;
	[tilespmem:$0x10200] =	vst v63  }
0x2b: {  	s16 =	simm.s32 $0x80;
	v0 =	vld.msk [tilespmem:s15+$0x0 ss:$0x1], $0xffff;
	s15 =	smov.u32 s12  }
.LBB2_3:
0x2c: {  	p1 =	sne.s32 s16, $0x3C0;
	_ =	sdelay $0x4  }
0x2d: {  	vm2 =	vgt.s32 v0, $0x0  }
0x2e: {  	v0 =	vnsel vm2, $0x0, v0  }
0x2f: {  	v0 =	vmin.u32 v0, $0xC34F  }
0x30: {  	v0 =	vshll.u32 v0, $0x4;
	_ =	sdelay $0x3  }
.Ltmp3:
0x31: {  	s17 =	sshra.s32 s16, $0x2;
	s15 =	sadd.s32 $0x800, s15;
	(pc) =	sbr.rel @p1 .LBB2_3-.Ltmp3, $4  }
0x32: {  	[tilespmem:s15], [sflag:$0x1] =	stream.indirect_vreg.gather [hbm:s3], $0x80, v0, vm0, $0x38;
	[tilespmem:$0x10200] =	vst v63  }
0x33: {  	s17 =	sadd.s32 s17, s14;
	s18 =	sadd.s32 $0x400, s15  }
0x34: {  	[tilespmem:s18], [sflag:$0x1] =	stream.indirect_vreg.gather [hbm:s3], $0x80, v0, vm1, $0x38;
	[tilespmem:$0x10200] =	vst v63  }
0x35: {  	s16 =	sadd.s32 $0x40, s16;
	v0 =	vld.msk [tilespmem:s17+$0x0 ss:$0x1], $0xffff  }
0x36: {  	_ =	sdelay $0x3  }
0x37: {  	vm2 =	vgt.s32 v0, $0x0  }
0x38: {  	v0 =	vnsel vm2, $0x0, v0  }
0x39: {  	v0 =	vmin.u32 v0, $0xC34F  }
0x3a: {  	v0 =	vshll.u32 v0, $0x4;
	_ =	sdelay $0x3  }
0x3b: {  	s14 =	sadd.s32 $0x800, s15  }
0x3c: {  	[tilespmem:s14], [sflag:$0x1] =	stream.indirect_vreg.gather [hbm:s3], $0x80, v0, vm0, $0x38;
	[tilespmem:$0x10200] =	vst v63  }
0x3d: {  	s14 =	sadd.s32 $0x400, s14  }
0x3e: {  	[tilespmem:s14], [sflag:$0x1] =	stream.indirect_vreg.gather [hbm:s3], $0x80, v0, vm1, $0x38;
	[tilespmem:$0x10200] =	vst v63  }
0x3f: {  	s11 =	sshll.u32 s11, $0x4;
	_ =	swait.ge [sflag:s4], $0x8000  }
0x40: {  	s11 =	sadd.s32 s11, s7;
	[sflag:s4] =	ssyncset.done $0x0  }
0x41: {  	s15 =	sadd.s32 $0x0, s11;
	s14 =	simm.s32 $0x80;
	[sflag:s4] =	ssyncadd.s32 $0xFFFF8000  }
.LBB2_5:
0x42: {  	[hbm:s15] =	stream.linear.scatter [tilespmem:s12], [sflag:$0x3], $0x400, $0x38;
	[tilespmem:$0x10200] =	vst v63  }
0x43: {  	s15 =	smov.u32 s14;
	s12 =	smov.u32 s13;
	p1 =	sne.s32 s14, $0xF80  }
.Ltmp4:
0x44: {  	s14 =	sadd.s32 $0x80, s14;
	(pc) =	sbr.rel @p1 .LBB2_5-.Ltmp4, $2  }
0x45: {  	_ =	sdelay $0x2  }
0x46: {  	s13 =	sadd.s32 $0x400, s13;
	s15 =	sadd.s32 s15, s11  }
.Ltmp5:
0x47: {  	(pc) =	sbr.rel .LBB2_7-.Ltmp5, $2  }
0x48: {  	_ =	sdelay $0x2  }
0x49: {  	[hbm:s15] =	stream.linear.scatter [tilespmem:s12], [sflag:$0x3], $0x400, $0x38;
	[tilespmem:$0x10200] =	vst v63  }
.LBB2_8:
0x4a: {  	_ =	sfence.sel $0x180000  }
0x4b: {  	s2 =	simm.s32 $0x2;
	[bflag:$0x0] =	sbarrier.arrive $0xFFFF  }
0x4c: {  	s30 =	simm.s32 $0x3;
	[sflag:s2] =	ssyncpa.u1 $0x1  }
0x4d: {  	s31 =	simm.s32 $0x1;
	[sflag:s30] =	ssyncpa.u1 $0x1  }
0x4e: {  	[sflag:s31] =	ssyncpa.u1 $0x1  }
0x4f: {  	p0 =	sne.s32 s1, $0x0;
	_ =	strace $0x90000047  }
0x50: {  	s0 =	sadd.s32 @!p0 $0x100000, s0;
	[bflag:$0x2] =	sbarrier.arrive $0xFFFF  }
0x51: {  	[sflag:s0] =	ssyncadd.tile.s32 @!p0 $0x1;
	_ =	shalt  }
.Lfunc_end2:
_tile_overlayer_lowered:
.L_overlay_start_2:
0x52: {  	(tag) =	ssettag $0x2  }
0x53: {  	s0 =	rddreg [dreg:$0x0];
	s2 =	stileid.u32  }
0x54: {  	s1 =	rddreg [dreg:$0x1];
	p0 =	sne.s32 s2, $0x0  }
0x55: {  	s3 =	rddreg [dreg:$0x2];
	[bflag:$0x3] =	sbarrier.arrive $0xFFFF;
	s2 =	simm.s32 @!p0 $0x1C01  }
0x56: {  	[timem:s3], [sflag:s2] =	dma.local @!p0 [hbm:s0], s1  }
0x57: {  	s0 =	simm.s32 @!p0 $0x1  }
0x58: {  	_ =	swait.ge @!p0 [sflag:s0], s1  }
0x59: {  	s1 =	ssub.s32 @!p0 $0x0, s1;
	[sflag:s0] =	ssyncset.done @!p0 $0x0  }
0x5a: {  	[sflag:s0] =	ssyncadd.s32 @!p0 s1  }
0x5b: {  	[bflag:$0x3] =	sbarrier.arrive $0xFFFF  }
0x5c: {  	_ =	shalt  }

</sc_bundles>
